<compile_context>
chip_gen: v7x
topology: tpu7x:2x2x1
jax: 0.10.2.dev20260603
libtpu: 0.0.44.dev20260713+nightly
codegen_flags: <defaults>
</compile_context>

<pallas_src>
import functools

import jax
import jax.numpy as jnp
from jax import lax
from jax.experimental import pallas as pl
from jax.experimental.pallas import tpu as pltpu
from jax.experimental.pallas import tpu_sc as plsc

N = 32
D = 128
M = 128
R = 4
SEQ = 8
GLOBALS = 50000
NT = 8
TILE = 6272
LAST = GLOBALS - (NT - 1) * TILE
B = SEQ * N
ROW = 416


def _sc_gather(table, batchinput):
    info = plsc.get_sparse_core_info()
    nw = info.num_cores * info.num_subcores
    bpw = B // nw
    wpt = N // bpw
    mesh = plsc.VectorSubcoreMesh(core_axis_name="c", subcore_axis_name="s")

    @functools.partial(
        pl.kernel,
        mesh=mesh,
        out_type=(
            jax.ShapeDtypeStruct((SEQ, N, D), jnp.float32),
            jax.ShapeDtypeStruct((SEQ, N * D), jnp.float32),
        ),
        scratch_types=[
            pltpu.VMEM((bpw,), jnp.int32),
            pltpu.VMEM((bpw, D), jnp.float32),
            pltpu.SemaphoreType.DMA,
        ],
    )
    def gather(bt_hbm, table_hbm, x3_hbm, xf_hbm, idx_v, rows_v, sem):
        wid = lax.axis_index("s") * info.num_cores + lax.axis_index("c")
        t = wid // wpt
        n0 = (wid % wpt) * bpw
        pltpu.sync_copy(bt_hbm.at[t, 0, pl.ds(n0, bpw)], idx_v)
        pltpu.async_copy(table_hbm.at[idx_v], rows_v, sem).wait()
        pltpu.sync_copy(rows_v, x3_hbm.at[t, pl.ds(n0, bpw)])
        for i in range(bpw):
            pltpu.sync_copy(rows_v.at[i],
                            xf_hbm.at[t, pl.ds((n0 + i) * D, D)])

    return gather(batchinput, table)


def _main_body(src_ref, dst_ref, et_ref, xg3_ref, xgf_ref, convw_ref, w0_ref,
               wg_ref, ug_ref, b_ref, w_hbm, out_ref, outs_ref, *scratch):
    wbufs = list(scratch[:NT])
    sems = scratch[NT]
    copies = []
    for i in range(NT):
        rows = TILE if i < NT - 1 else LAST
        cp = pltpu.make_async_copy(w_hbm.at[pl.ds(i * TILE, rows)],
                                   wbufs[i], sems.at[i])
        cp.start()
        copies.append(cp)

    xgm = xg3_ref[...].reshape(B, D)
    ng_all = jnp.dot(xgf_ref[...], wg_ref[...],
                     preferred_element_type=jnp.float32)
    prev_all = jnp.dot(xgm, w0_ref[...],
                       preferred_element_type=jnp.float32)
    xw = [jnp.dot(xgm, convw_ref[r], preferred_element_type=jnp.float32)
          for r in range(R)]

    iota_n = lax.broadcasted_iota(jnp.int32, (N, M), 0)
    iota_r = lax.broadcasted_iota(jnp.int32, (R, M), 0)
    eye_n = (lax.broadcasted_iota(jnp.int32, (N, N), 0) ==
             lax.broadcasted_iota(jnp.int32, (N, N), 1)).astype(jnp.float32)

    proposed = []
    for t in range(SEQ):
        src_row = src_ref[t:t + 1, :]
        dst_row = dst_ref[t:t + 1, :]
        et_row = et_ref[t:t + 1, :]
        oh_src = (src_row == iota_n).astype(jnp.float32)
        oh_dst = (dst_row == iota_n).astype(jnp.float32)
        mask4 = (et_row == iota_r).astype(jnp.float32)
        degs = lax.dot_general(oh_dst, mask4, (((1,), (1,)), ((), ())),
                               preferred_element_type=jnp.float32) + 1.0
        dis = lax.rsqrt(degs)
        invd = 1.0 / degs
        dis_s = lax.dot_general(dis, oh_src, (((0,), (0,)), ((), ())),
                                preferred_element_type=jnp.float32)
        dis_d = lax.dot_general(dis, oh_dst, (((0,), (0,)), ((), ())),
                                preferred_element_type=jnp.float32)
        norm4 = mask4 * dis_s * dis_d
        rhs = jnp.concatenate([norm4[r:r + 1, :] * oh_src for r in range(R)],
                              axis=0)
        adj = lax.dot_general(oh_dst, rhs, (((1,), (1,)), ((), ())),
                              preferred_element_type=jnp.float32)
        adj = adj + jnp.concatenate([invd[:, r:r + 1] * eye_n for r in range(R)],
                                    axis=1)
        xw_stack = jnp.concatenate([xw[r][t * N:(t + 1) * N, :]
                                    for r in range(R)], axis=0)
        conv = jnp.dot(adj, xw_stack, preferred_element_type=jnp.float32)
        proposed.append(conv + prev_all[t * N:(t + 1) * N, :])

    mem = jnp.zeros((N, D), jnp.float32)
    rows_out = []
    for t in range(SEQ):
        pg = jnp.dot(mem[0:1, :], ug_ref[...],
                     preferred_element_type=jnp.float32)
        u = 1.0 / (1.0 + jnp.exp(-(ng_all[t:t + 1, :] + pg)))
        mem = u * proposed[t] + (1.0 - u) * mem
        rows_out.append(jnp.maximum(mem[0:1, :], 0.0))
    x1 = jnp.concatenate(rows_out, axis=0)

    m_run = jnp.full((SEQ, 1), -1e30, jnp.float32)
    s_run = jnp.zeros((SEQ, 1), jnp.float32)
    for i in range(NT):
        rows = TILE if i < NT - 1 else LAST
        copies[i].wait()
        lg = lax.dot_general(x1, wbufs[i][...], (((1,), (1,)), ((), ())),
                             preferred_element_type=jnp.float32)
        lg = lg + b_ref[:, i * TILE:i * TILE + rows]
        out_ref[:, i * TILE:i * TILE + rows] = lg
        m_new = jnp.maximum(m_run, jnp.max(lg, axis=1, keepdims=True))
        s_run = (s_run * jnp.exp(m_run - m_new) +
                 jnp.sum(jnp.exp(lg - m_new), axis=1, keepdims=True))
        m_run = m_new

    out_ref[...] = out_ref[...] - (m_run + jnp.log(s_run))
    outs_ref[...] = jnp.zeros((1, SEQ), jnp.float32)


def _run_main(src_all, dst_all, et_all, xg3, xgf, conv_W, W_0, wg, ug, b2d, w2g):
    wtypes = [pltpu.VMEM((TILE, D), jnp.float32) for _ in range(NT - 1)]
    wtypes.append(pltpu.VMEM((LAST, D), jnp.float32))
    return pl.pallas_call(
        _main_body,
        in_specs=[
            pl.BlockSpec((SEQ, M), lambda: (0, 0)),
            pl.BlockSpec((SEQ, M), lambda: (0, 0)),
            pl.BlockSpec((SEQ, M), lambda: (0, 0)),
            pl.BlockSpec((SEQ, N, D), lambda: (0, 0, 0)),
            pl.BlockSpec((SEQ, N * D), lambda: (0, 0)),
            pl.BlockSpec((R, D, D), lambda: (0, 0, 0)),
            pl.BlockSpec((D, D), lambda: (0, 0)),
            pl.BlockSpec((N * D, D), lambda: (0, 0)),
            pl.BlockSpec((D, D), lambda: (0, 0)),
            pl.BlockSpec((1, GLOBALS), lambda: (0, 0)),
            pl.BlockSpec(memory_space=pl.ANY),
        ],
        out_specs=[pl.BlockSpec((SEQ, GLOBALS), lambda: (0, 0)),
                   pl.BlockSpec((1, SEQ), lambda: (0, 0))],
        out_shape=[jax.ShapeDtypeStruct((SEQ, GLOBALS), jnp.float32),
                   jax.ShapeDtypeStruct((1, SEQ), jnp.float32)],
        scratch_shapes=wtypes + [pltpu.SemaphoreType.DMA((NT,))],
    )(src_all, dst_all, et_all, xg3, xgf, conv_W, W_0, wg, ug, b2d, w2g)


def kernel(batchinput_tensor, X, conv_W, W_0, update_gate_W, update_gate_U,
           lin2global_w, lin2global_b):
    packed = batchinput_tensor[:, 0, :]
    src_all = packed[:, N:N + M]
    dst_all = packed[:, N + M:N + 2 * M]
    et_all = packed[:, N + 2 * M:N + 3 * M]

    xg3, xgf = _sc_gather(X, batchinput_tensor)
    b2d = lin2global_b.reshape(1, GLOBALS)

    preds_g, preds_s = _run_main(src_all, dst_all, et_all, xg3, xgf, conv_W,
                                 W_0, update_gate_W, update_gate_U, b2d,
                                 lin2global_w)
    return preds_g, preds_s.reshape(SEQ)

# --- scband reference (transcript-rebuilt; emitter-appended) ---
"""Pipeline reference for scband-gru-rgcn-75144747811351 (READ-ONLY COPY).

The authoritative reference and input builder live on the scoring server;
editing this copy changes nothing except your own understanding.
"""

import jax, jax.numpy as jnp
import numpy as np

N = 32          # grapharea_size
D = 128         # d (feature dim)
M = 128         # MAX_EDGES_PACKED
R = 4           # num_relations
SEQ = 8         # bptt sequence length
NUM_NODES = 100000
LAST_SENSES = 10000
LAST_GLOBALS = 60000
GLOBALS = LAST_GLOBALS - LAST_SENSES  # 50000


def setup_inputs(seed: int = 0) -> dict:
    key = jax.random.key(seed)
    ks = jax.random.split(key, 12)
    # packed bptt input: [x_indices(N) | edge_src(M) | edge_dst(M) | edge_type(M)] per step
    x_idx = jax.random.randint(ks[0], (SEQ, 1, N), 0, NUM_NODES)
    src = jax.random.randint(ks[1], (SEQ, 1, M), 0, N)
    dst = jax.random.randint(ks[2], (SEQ, 1, M), 0, N)
    et = jnp.sort(jax.random.randint(ks[3], (SEQ, 1, M), 0, R), axis=-1)
    batchinput_tensor = jnp.concatenate([x_idx, src, dst, et], axis=-1).astype(jnp.int32)
    X = jax.random.normal(ks[4], (NUM_NODES, D), dtype=jnp.float32)
    conv_W = jax.random.normal(ks[5], (R, D, D), dtype=jnp.float32) / np.sqrt(D)
    W_0 = jax.random.normal(ks[6], (D, D), dtype=jnp.float32) / np.sqrt(D)
    update_gate_W = jax.random.normal(ks[7], (N * D, D), dtype=jnp.float32) / np.sqrt(N * D)
    update_gate_U = jax.random.normal(ks[8], (D, D), dtype=jnp.float32) / np.sqrt(D)
    lin2global_w = jax.random.normal(ks[9], (GLOBALS, D), dtype=jnp.float32) / np.sqrt(D)
    lin2global_b = jnp.zeros((GLOBALS,), dtype=jnp.float32)
    return {
        'batchinput_tensor': batchinput_tensor,
        'X': X,
        'conv_W': conv_W,
        'W_0': W_0,
        'update_gate_W': update_gate_W,
        'update_gate_U': update_gate_U,
        'lin2global_w': lin2global_w,
        'lin2global_b': lin2global_b,
    }


def _gcn_conv(x, src, dst, mask, W):
    # PyG GCNConv, bias=False, add_self_loops=True, normalize=True,
    # restricted to edges with mask==1 (one relation).
    xw = x @ W
    deg = jnp.zeros((N,), dtype=x.dtype).at[dst].add(mask) + 1.0  # +1 self loop
    dis = 1.0 / jnp.sqrt(deg)
    norm = mask * dis[src] * dis[dst]
    out = jnp.zeros_like(xw).at[dst].add(norm[:, None] * xw[src])
    out = out + (1.0 / deg)[:, None] * xw  # self-loop messages (norm = 1/deg)
    return out


def reference(batchinput_tensor, X, conv_W, W_0, update_gate_W, update_gate_U, lin2global_w, lin2global_b):
    packed = batchinput_tensor[:, 0, :]  # squeeze batch dim of 1
    mem = jnp.zeros((N, D), dtype=jnp.float32)  # memory_previous_rgcnconv
    preds_g = []
    preds_s = []
    for t in range(SEQ):
        row = packed[t]
        x_indices = row[:N]
        e_src = row[N:N + M]
        e_dst = row[N + M:N + 2 * M]
        e_type = row[N + 2 * M:N + 3 * M]
        grapharea_x = X[x_indices]  # gather from big node-feature table
        # per-relation GCNConv (edge_type is sorted, runs == relation ids)
        composite = jnp.zeros((N, D), dtype=jnp.float32)
        for r in range(R):
            mask = (e_type == r).astype(jnp.float32)
            composite = composite + _gcn_conv(grapharea_x, e_src, e_dst, mask, conv_W[r])
        prevlayer = jnp.eye(N, dtype=jnp.float32) @ (grapharea_x @ W_0)
        proposed = composite + prevlayer
        ng = grapharea_x.reshape(1, -1) @ update_gate_W
        pg = mem[0:1] @ update_gate_U
        u = jax.nn.sigmoid(ng + pg)
        rgcn = u * proposed + (1.0 - u) * mem
        mem = rgcn  # stateful memory update (.data.copy_ in torch)
        x1 = jax.nn.relu(rgcn)[0]
        logits = x1 @ lin2global_w.T + lin2global_b
        preds_g.append(jax.nn.log_softmax(logits, axis=0))
        preds_s.append(jnp.float32(0.0))  # include_senses=False branch
    return jnp.stack(preds_g, axis=0), jnp.stack(preds_s, axis=0)

if __name__ == "__main__":
    import jax
    _d = setup_inputs()
    print(jax.jit(kernel)(*tuple(_d.values())))

</pallas_src>

<mosaic_0001>
#map = affine_map<(d0, d1) -> (0, 0, 0)>
#map1 = affine_map<(d0, d1) -> (0, 0)>
module attributes {stable_mosaic.version = 14 : i64} {
  func.func @gather(%arg0: i32, %arg1: i32, %arg2: memref<8x1x416xi32, #tpu.memory_space<hbm>>, %arg3: memref<100000x128xf32, #tpu.memory_space<hbm>>, %arg4: memref<8x32x128xf32, #tpu.memory_space<hbm>>, %arg5: memref<8x4096xf32, #tpu.memory_space<hbm>>, %arg6: memref<8xi32, #tpu.memory_space<vmem>>, %arg7: memref<8x128xf32, #tpu.memory_space<vmem>>, %arg8: memref<!tpu.dma_semaphore, #tpu.memory_space<semaphore_mem>>) attributes {dimension_semantics = [#tpu.dimension_semantics<core_parallel>, #tpu.dimension_semantics<subcore_parallel>], iteration_bounds = array<i64: 2, 16>, scalar_prefetch = 0 : i64, scratch_operands = 3 : i64, tpu.core_type = #tpu.core_type<sc_vector_subcore>, window_params = [{transform_indices = #map}, {transform_indices = #map1}, {transform_indices = #map}, {transform_indices = #map1}]} {
    %mul3A = arith.constant 2 : i32
    %mul3A_0 = arith.muli %arg1, %mul3A : i32
    %add3A = arith.addi %mul3A_0, %arg0 : i32
    %jit3A = arith.constant 4 : i32
    %div3A = arith.divsi %add3A, %jit3A : i32
    %sign3A = arith.constant 0 : i32
    %sign3A_1 = arith.cmpi sgt, %add3A, %sign3A : i32
    %sign3A_2 = arith.extui %sign3A_1 : i1 to i32
    %sign3A_3 = arith.constant 0 : i32
    %sign3A_4 = arith.cmpi slt, %add3A, %sign3A_3 : i32
    %sign3A_5 = arith.extui %sign3A_4 : i1 to i32
    %sign3A_6 = arith.subi %sign3A_2, %sign3A_5 : i32
    %sign3A_7 = arith.constant 0 : i32
    %sign3A_8 = arith.cmpi sgt, %jit3A, %sign3A_7 : i32
    %sign3A_9 = arith.extui %sign3A_8 : i1 to i32
    %sign3A_10 = arith.constant 0 : i32
    %sign3A_11 = arith.cmpi slt, %jit3A, %sign3A_10 : i32
    %sign3A_12 = arith.extui %sign3A_11 : i1 to i32
    %sign3A_13 = arith.subi %sign3A_9, %sign3A_12 : i32
    %ne3A = arith.cmpi ne, %sign3A_6, %sign3A_13 : i32
    %rem3A = arith.remsi %add3A, %jit3A : i32
    %ne3A_14 = arith.constant 0 : i32
    %ne3A_15 = arith.cmpi ne, %rem3A, %ne3A_14 : i32
    %and3A = arith.andi %ne3A, %ne3A_15 : i1
    %sub3A = arith.constant 1 : i32
    %sub3A_16 = arith.subi %div3A, %sub3A : i32
    %select_n3A = arith.select %and3A, %sub3A_16, %div3A : i32
    %jit3A_17 = arith.constant 4 : i32
    %eq3A = arith.constant 0 : i32
    %eq3A_18 = arith.cmpi eq, %jit3A_17, %eq3A : i32
    %jit3A_19 = arith.constant 1 : i32
    %select_n3A_20 = arith.select %eq3A_18, %jit3A_19, %jit3A_17 : i32
    %rem3A_21 = arith.remsi %add3A, %select_n3A_20 : i32
    %ne3A_22 = arith.constant 0 : i32
    %ne3A_23 = arith.cmpi ne, %rem3A_21, %ne3A_22 : i32
    %lt3A = arith.constant 0 : i32
    %lt3A_24 = arith.cmpi slt, %rem3A_21, %lt3A : i32
    %lt3A_25 = arith.constant 0 : i32
    %lt3A_26 = arith.cmpi slt, %select_n3A_20, %lt3A_25 : i32
    %ne3A_27 = arith.xori %lt3A_24, %lt3A_26 : i1
    %and3A_28 = arith.andi %ne3A_27, %ne3A_23 : i1
    %add3A_29 = arith.addi %rem3A_21, %select_n3A_20 : i32
    %select_n3A_30 = arith.select %and3A_28, %add3A_29, %rem3A_21 : i32
    %mul3A_31 = arith.constant 8 : i32
    %mul3A_32 = arith.muli %select_n3A_30, %mul3A_31 : i32
    %run_scoped3A = arith.constant 0 : i32
    "tpu.region"() ({
      %run_scoped3A_77 = tpu.sem_alloc : memref<!tpu.dma_semaphore, #tpu.memory_space<semaphore_mem>>
      %dma_start3A_78 = tpu.memref_slice %arg2[%select_n3A, %run_scoped3A, %mul3A_32] : memref<8x1x416xi32, #tpu.memory_space<hbm>> -> memref<1x1x8xi32, #tpu.memory_space<hbm>>
      %dma_start3A_79 = tpu.memref_squeeze %dma_start3A_78 : memref<1x1x8xi32, #tpu.memory_space<hbm>> -> memref<8xi32, #tpu.memory_space<hbm>>
      %dma_start3A_80 = tpu.memref_slice %arg2[%select_n3A, %run_scoped3A, %mul3A_32] : memref<8x1x416xi32, #tpu.memory_space<hbm>> -> memref<1x1x8xi32, #tpu.memory_space<hbm>>
      %dma_start3A_81 = tpu.memref_squeeze %dma_start3A_80 : memref<1x1x8xi32, #tpu.memory_space<hbm>> -> memref<8xi32, #tpu.memory_space<hbm>>
      tpu.enqueue_dma source(%dma_start3A_81 : memref<8xi32, #tpu.memory_space<hbm>>) target(%arg6 : memref<8xi32, #tpu.memory_space<vmem>>) target_semaphore(%run_scoped3A_77 : memref<!tpu.dma_semaphore, #tpu.memory_space<semaphore_mem>>)
      %dma_wait3A_82 = tpu.memref_slice %arg2[%select_n3A, %run_scoped3A, %mul3A_32] : memref<8x1x416xi32, #tpu.memory_space<hbm>> -> memref<1x1x8xi32, #tpu.memory_space<hbm>>
      %dma_wait3A_83 = tpu.memref_squeeze %dma_wait3A_82 : memref<1x1x8xi32, #tpu.memory_space<hbm>> -> memref<8xi32, #tpu.memory_space<hbm>>
      %dma_wait3A_84 = tpu.memref_slice %arg2[%select_n3A, %run_scoped3A, %mul3A_32] : memref<8x1x416xi32, #tpu.memory_space<hbm>> -> memref<1x1x8xi32, #tpu.memory_space<hbm>>
      %dma_wait3A_85 = tpu.memref_squeeze %dma_wait3A_84 : memref<1x1x8xi32, #tpu.memory_space<hbm>> -> memref<8xi32, #tpu.memory_space<hbm>>
      tpu.wait_dma2 semaphore(%run_scoped3A_77 : memref<!tpu.dma_semaphore, #tpu.memory_space<semaphore_mem>>) src(%dma_wait3A_85 : memref<8xi32, #tpu.memory_space<hbm>>) dst(%arg6 : memref<8xi32, #tpu.memory_space<vmem>>)
      tpu.yield
    }) : () -> ()
    %dma_start3A = arith.constant 0 : i32
    %dma_start3A_33 = arith.constant 0 : i32
    %dma_start3A_34 = tpu.memref_slice %arg3[%dma_start3A, %dma_start3A_33] : memref<100000x128xf32, #tpu.memory_space<hbm>> -> memref<100000x128xf32, #tpu.memory_space<hbm>>
    tpu.enqueue_indirect_dma source(%dma_start3A_34 : memref<100000x128xf32, #tpu.memory_space<hbm>>) target(%arg7 : memref<8x128xf32, #tpu.memory_space<vmem>>) offsets(%arg6 : memref<8xi32, #tpu.memory_space<vmem>>) semaphore(%arg8 : memref<!tpu.dma_semaphore, #tpu.memory_space<semaphore_mem>>)
    %dma_wait3A = arith.constant 0 : i32
    %dma_wait3A_35 = arith.constant 0 : i32
    %dma_wait3A_36 = tpu.memref_slice %arg3[%dma_wait3A, %dma_wait3A_35] : memref<100000x128xf32, #tpu.memory_space<hbm>> -> memref<100000x128xf32, #tpu.memory_space<hbm>>
    tpu.wait_indirect_dma semaphore(%arg8 : memref<!tpu.dma_semaphore, #tpu.memory_space<semaphore_mem>>) src(%dma_wait3A_36 : memref<100000x128xf32, #tpu.memory_space<hbm>>) dst(%arg7 : memref<8x128xf32, #tpu.memory_space<vmem>>)
    "tpu.region"() ({
      %run_scoped3A_77 = tpu.sem_alloc : memref<!tpu.dma_semaphore, #tpu.memory_space<semaphore_mem>>
      %dma_start3A_78 = arith.constant 0 : i32
      %dma_start3A_79 = tpu.memref_slice %arg4[%select_n3A, %mul3A_32, %dma_start3A_78] : memref<8x32x128xf32, #tpu.memory_space<hbm>> -> memref<1x8x128xf32, #tpu.memory_space<hbm>>
      %dma_start3A_80 = tpu.memref_squeeze %dma_start3A_79 : memref<1x8x128xf32, #tpu.memory_space<hbm>> -> memref<8x128xf32, #tpu.memory_space<hbm>>
      %dma_start3A_81 = arith.constant 0 : i32
      %dma_start3A_82 = tpu.memref_slice %arg4[%select_n3A, %mul3A_32, %dma_start3A_81] : memref<8x32x128xf32, #tpu.memory_space<hbm>> -> memref<1x8x128xf32, #tpu.memory_space<hbm>>
      %dma_start3A_83 = tpu.memref_squeeze %dma_start3A_82 : memref<1x8x128xf32, #tpu.memory_space<hbm>> -> memref<8x128xf32, #tpu.memory_space<hbm>>
      tpu.enqueue_dma source(%arg7 : memref<8x128xf32, #tpu.memory_space<vmem>>) target(%dma_start3A_83 : memref<8x128xf32, #tpu.memory_space<hbm>>) target_semaphore(%run_scoped3A_77 : memref<!tpu.dma_semaphore, #tpu.memory_space<semaphore_mem>>)
      %dma_wait3A_84 = arith.constant 0 : i32
      %dma_wait3A_85 = tpu.memref_slice %arg4[%select_n3A, %mul3A_32, %dma_wait3A_84] : memref<8x32x128xf32, #tpu.memory_space<hbm>> -> memref<1x8x128xf32, #tpu.memory_space<hbm>>
      %dma_wait3A_86 = tpu.memref_squeeze %dma_wait3A_85 : memref<1x8x128xf32, #tpu.memory_space<hbm>> -> memref<8x128xf32, #tpu.memory_space<hbm>>
      %dma_wait3A_87 = arith.constant 0 : i32
      %dma_wait3A_88 = tpu.memref_slice %arg4[%select_n3A, %mul3A_32, %dma_wait3A_87] : memref<8x32x128xf32, #tpu.memory_space<hbm>> -> memref<1x8x128xf32, #tpu.memory_space<hbm>>
      %dma_wait3A_89 = tpu.memref_squeeze %dma_wait3A_88 : memref<1x8x128xf32, #tpu.memory_space<hbm>> -> memref<8x128xf32, #tpu.memory_space<hbm>>
      tpu.wait_dma2 semaphore(%run_scoped3A_77 : memref<!tpu.dma_semaphore, #tpu.memory_space<semaphore_mem>>) src(%arg7 : memref<8x128xf32, #tpu.memory_space<vmem>>) dst(%dma_wait3A_89 : memref<8x128xf32, #tpu.memory_space<hbm>>)
      tpu.yield
    }) : () -> ()
    %add3A_37 = arith.constant 0 : i32
    %add3A_38 = arith.addi %mul3A_32, %add3A_37 : i32
    %mul3A_39 = arith.constant 128 : i32
    %mul3A_40 = arith.muli %add3A_38, %mul3A_39 : i32
    %run_scoped3A_41 = arith.constant 0 : i32
    "tpu.region"() ({
      %run_scoped3A_77 = tpu.sem_alloc : memref<!tpu.dma_semaphore, #tpu.memory_space<semaphore_mem>>
      %dma_start3A_78 = arith.constant 0 : i32
      %dma_start3A_79 = tpu.memref_slice %arg7[%run_scoped3A_41, %dma_start3A_78] : memref<8x128xf32, #tpu.memory_space<vmem>> -> memref<1x128xf32, #tpu.memory_space<vmem>>
      %dma_start3A_80 = tpu.memref_squeeze %dma_start3A_79 : memref<1x128xf32, #tpu.memory_space<vmem>> -> memref<128xf32, #tpu.memory_space<vmem>>
      %dma_start3A_81 = tpu.memref_slice %arg5[%select_n3A, %mul3A_40] : memref<8x4096xf32, #tpu.memory_space<hbm>> -> memref<1x128xf32, #tpu.memory_space<hbm>>
      %dma_start3A_82 = tpu.memref_squeeze %dma_start3A_81 : memref<1x128xf32, #tpu.memory_space<hbm>> -> memref<128xf32, #tpu.memory_space<hbm>>
      %dma_start3A_83 = tpu.memref_slice %arg5[%select_n3A, %mul3A_40] : memref<8x4096xf32, #tpu.memory_space<hbm>> -> memref<1x128xf32, #tpu.memory_space<hbm>>
      %dma_start3A_84 = tpu.memref_squeeze %dma_start3A_83 : memref<1x128xf32, #tpu.memory_space<hbm>> -> memref<128xf32, #tpu.memory_space<hbm>>
      %dma_start3A_85 = arith.constant 0 : i32
      %dma_start3A_86 = tpu.memref_slice %arg7[%run_scoped3A_41, %dma_start3A_85] : memref<8x128xf32, #tpu.memory_space<vmem>> -> memref<1x128xf32, #tpu.memory_space<vmem>>
      %dma_start3A_87 = tpu.memref_squeeze %dma_start3A_86 : memref<1x128xf32, #tpu.memory_space<vmem>> -> memref<128xf32, #tpu.memory_space<vmem>>
      tpu.enqueue_dma source(%dma_start3A_87 : memref<128xf32, #tpu.memory_space<vmem>>) target(%dma_start3A_84 : memref<128xf32, #tpu.memory_space<hbm>>) target_semaphore(%run_scoped3A_77 : memref<!tpu.dma_semaphore, #tpu.memory_space<semaphore_mem>>)
      %dma_wait3A_88 = arith.constant 0 : i32
      %dma_wait3A_89 = tpu.memref_slice %arg7[%run_scoped3A_41, %dma_wait3A_88] : memref<8x128xf32, #tpu.memory_space<vmem>> -> memref<1x128xf32, #tpu.memory_space<vmem>>
      %dma_wait3A_90 = tpu.memref_squeeze %dma_wait3A_89 : memref<1x128xf32, #tpu.memory_space<vmem>> -> memref<128xf32, #tpu.memory_space<vmem>>
      %dma_wait3A_91 = tpu.memref_slice %arg5[%select_n3A, %mul3A_40] : memref<8x4096xf32, #tpu.memory_space<hbm>> -> memref<1x128xf32, #tpu.memory_space<hbm>>
      %dma_wait3A_92 = tpu.memref_squeeze %dma_wait3A_91 : memref<1x128xf32, #tpu.memory_space<hbm>> -> memref<128xf32, #tpu.memory_space<hbm>>
      %dma_wait3A_93 = tpu.memref_slice %arg5[%select_n3A, %mul3A_40] : memref<8x4096xf32, #tpu.memory_space<hbm>> -> memref<1x128xf32, #tpu.memory_space<hbm>>
      %dma_wait3A_94 = tpu.memref_squeeze %dma_wait3A_93 : memref<1x128xf32, #tpu.memory_space<hbm>> -> memref<128xf32, #tpu.memory_space<hbm>>
      %dma_wait3A_95 = arith.constant 0 : i32
      %dma_wait3A_96 = tpu.memref_slice %arg7[%run_scoped3A_41, %dma_wait3A_95] : memref<8x128xf32, #tpu.memory_space<vmem>> -> memref<1x128xf32, #tpu.memory_space<vmem>>
      %dma_wait3A_97 = tpu.memref_squeeze %dma_wait3A_96 : memref<1x128xf32, #tpu.memory_space<vmem>> -> memref<128xf32, #tpu.memory_space<vmem>>
      tpu.wait_dma2 semaphore(%run_scoped3A_77 : memref<!tpu.dma_semaphore, #tpu.memory_space<semaphore_mem>>) src(%dma_wait3A_97 : memref<128xf32, #tpu.memory_space<vmem>>) dst(%dma_wait3A_94 : memref<128xf32, #tpu.memory_space<hbm>>)
      tpu.yield
    }) : () -> ()
    %add3A_42 = arith.constant 1 : i32
    %add3A_43 = arith.addi %mul3A_32, %add3A_42 : i32
    %mul3A_44 = arith.constant 128 : i32
    %mul3A_45 = arith.muli %add3A_43, %mul3A_44 : i32
    %run_scoped3A_46 = arith.constant 1 : i32
    "tpu.region"() ({
      %run_scoped3A_77 = tpu.sem_alloc : memref<!tpu.dma_semaphore, #tpu.memory_space<semaphore_mem>>
      %dma_start3A_78 = arith.constant 0 : i32
      %dma_start3A_79 = tpu.memref_slice %arg7[%run_scoped3A_46, %dma_start3A_78] : memref<8x128xf32, #tpu.memory_space<vmem>> -> memref<1x128xf32, #tpu.memory_space<vmem>>
      %dma_start3A_80 = tpu.memref_squeeze %dma_start3A_79 : memref<1x128xf32, #tpu.memory_space<vmem>> -> memref<128xf32, #tpu.memory_space<vmem>>
      %dma_start3A_81 = tpu.memref_slice %arg5[%select_n3A, %mul3A_45] : memref<8x4096xf32, #tpu.memory_space<hbm>> -> memref<1x128xf32, #tpu.memory_space<hbm>>
      %dma_start3A_82 = tpu.memref_squeeze %dma_start3A_81 : memref<1x128xf32, #tpu.memory_space<hbm>> -> memref<128xf32, #tpu.memory_space<hbm>>
      %dma_start3A_83 = tpu.memref_slice %arg5[%select_n3A, %mul3A_45] : memref<8x4096xf32, #tpu.memory_space<hbm>> -> memref<1x128xf32, #tpu.memory_space<hbm>>
      %dma_start3A_84 = tpu.memref_squeeze %dma_start3A_83 : memref<1x128xf32, #tpu.memory_space<hbm>> -> memref<128xf32, #tpu.memory_space<hbm>>
      %dma_start3A_85 = arith.constant 0 : i32
      %dma_start3A_86 = tpu.memref_slice %arg7[%run_scoped3A_46, %dma_start3A_85] : memref<8x128xf32, #tpu.memory_space<vmem>> -> memref<1x128xf32, #tpu.memory_space<vmem>>
      %dma_start3A_87 = tpu.memref_squeeze %dma_start3A_86 : memref<1x128xf32, #tpu.memory_space<vmem>> -> memref<128xf32, #tpu.memory_space<vmem>>
      tpu.enqueue_dma source(%dma_start3A_87 : memref<128xf32, #tpu.memory_space<vmem>>) target(%dma_start3A_84 : memref<128xf32, #tpu.memory_space<hbm>>) target_semaphore(%run_scoped3A_77 : memref<!tpu.dma_semaphore, #tpu.memory_space<semaphore_mem>>)
      %dma_wait3A_88 = arith.constant 0 : i32
      %dma_wait3A_89 = tpu.memref_slice %arg7[%run_scoped3A_46, %dma_wait3A_88] : memref<8x128xf32, #tpu.memory_space<vmem>> -> memref<1x128xf32, #tpu.memory_space<vmem>>
      %dma_wait3A_90 = tpu.memref_squeeze %dma_wait3A_89 : memref<1x128xf32, #tpu.memory_space<vmem>> -> memref<128xf32, #tpu.memory_space<vmem>>
      %dma_wait3A_91 = tpu.memref_slice %arg5[%select_n3A, %mul3A_45] : memref<8x4096xf32, #tpu.memory_space<hbm>> -> memref<1x128xf32, #tpu.memory_space<hbm>>
      %dma_wait3A_92 = tpu.memref_squeeze %dma_wait3A_91 : memref<1x128xf32, #tpu.memory_space<hbm>> -> memref<128xf32, #tpu.memory_space<hbm>>
      %dma_wait3A_93 = tpu.memref_slice %arg5[%select_n3A, %mul3A_45] : memref<8x4096xf32, #tpu.memory_space<hbm>> -> memref<1x128xf32, #tpu.memory_space<hbm>>
      %dma_wait3A_94 = tpu.memref_squeeze %dma_wait3A_93 : memref<1x128xf32, #tpu.memory_space<hbm>> -> memref<128xf32, #tpu.memory_space<hbm>>
      %dma_wait3A_95 = arith.constant 0 : i32
      %dma_wait3A_96 = tpu.memref_slice %arg7[%run_scoped3A_46, %dma_wait3A_95] : memref<8x128xf32, #tpu.memory_space<vmem>> -> memref<1x128xf32, #tpu.memory_space<vmem>>
      %dma_wait3A_97 = tpu.memref_squeeze %dma_wait3A_96 : memref<1x128xf32, #tpu.memory_space<vmem>> -> memref<128xf32, #tpu.memory_space<vmem>>
      tpu.wait_dma2 semaphore(%run_scoped3A_77 : memref<!tpu.dma_semaphore, #tpu.memory_space<semaphore_mem>>) src(%dma_wait3A_97 : memref<128xf32, #tpu.memory_space<vmem>>) dst(%dma_wait3A_94 : memref<128xf32, #tpu.memory_space<hbm>>)
      tpu.yield
    }) : () -> ()
    %add3A_47 = arith.constant 2 : i32
    %add3A_48 = arith.addi %mul3A_32, %add3A_47 : i32
    %mul3A_49 = arith.constant 128 : i32
    %mul3A_50 = arith.muli %add3A_48, %mul3A_49 : i32
    %run_scoped3A_51 = arith.constant 2 : i32
    "tpu.region"() ({
      %run_scoped3A_77 = tpu.sem_alloc : memref<!tpu.dma_semaphore, #tpu.memory_space<semaphore_mem>>
      %dma_start3A_78 = arith.constant 0 : i32
      %dma_start3A_79 = tpu.memref_slice %arg7[%run_scoped3A_51, %dma_start3A_78] : memref<8x128xf32, #tpu.memory_space<vmem>> -> memref<1x128xf32, #tpu.memory_space<vmem>>
      %dma_start3A_80 = tpu.memref_squeeze %dma_start3A_79 : memref<1x128xf32, #tpu.memory_space<vmem>> -> memref<128xf32, #tpu.memory_space<vmem>>
      %dma_start3A_81 = tpu.memref_slice %arg5[%select_n3A, %mul3A_50] : memref<8x4096xf32, #tpu.memory_space<hbm>> -> memref<1x128xf32, #tpu.memory_space<hbm>>
      %dma_start3A_82 = tpu.memref_squeeze %dma_start3A_81 : memref<1x128xf32, #tpu.memory_space<hbm>> -> memref<128xf32, #tpu.memory_space<hbm>>
      %dma_start3A_83 = tpu.memref_slice %arg5[%select_n3A, %mul3A_50] : memref<8x4096xf32, #tpu.memory_space<hbm>> -> memref<1x128xf32, #tpu.memory_space<hbm>>
      %dma_start3A_84 = tpu.memref_squeeze %dma_start3A_83 : memref<1x128xf32, #tpu.memory_space<hbm>> -> memref<128xf32, #tpu.memory_space<hbm>>
      %dma_start3A_85 = arith.constant 0 : i32
      %dma_start3A_86 = tpu.memref_slice %arg7[%run_scoped3A_51, %dma_start3A_85] : memref<8x128xf32, #tpu.memory_space<vmem>> -> memref<1x128xf32, #tpu.memory_space<vmem>>
      %dma_start3A_87 = tpu.memref_squeeze %dma_start3A_86 : memref<1x128xf32, #tpu.memory_space<vmem>> -> memref<128xf32, #tpu.memory_space<vmem>>
      tpu.enqueue_dma source(%dma_start3A_87 : memref<128xf32, #tpu.memory_space<vmem>>) target(%dma_start3A_84 : memref<128xf32, #tpu.memory_space<hbm>>) target_semaphore(%run_scoped3A_77 : memref<!tpu.dma_semaphore, #tpu.memory_space<semaphore_mem>>)
      %dma_wait3A_88 = arith.constant 0 : i32
      %dma_wait3A_89 = tpu.memref_slice %arg7[%run_scoped3A_51, %dma_wait3A_88] : memref<8x128xf32, #tpu.memory_space<vmem>> -> memref<1x128xf32, #tpu.memory_space<vmem>>
      %dma_wait3A_90 = tpu.memref_squeeze %dma_wait3A_89 : memref<1x128xf32, #tpu.memory_space<vmem>> -> memref<128xf32, #tpu.memory_space<vmem>>
      %dma_wait3A_91 = tpu.memref_slice %arg5[%select_n3A, %mul3A_50] : memref<8x4096xf32, #tpu.memory_space<hbm>> -> memref<1x128xf32, #tpu.memory_space<hbm>>
      %dma_wait3A_92 = tpu.memref_squeeze %dma_wait3A_91 : memref<1x128xf32, #tpu.memory_space<hbm>> -> memref<128xf32, #tpu.memory_space<hbm>>
      %dma_wait3A_93 = tpu.memref_slice %arg5[%select_n3A, %mul3A_50] : memref<8x4096xf32, #tpu.memory_space<hbm>> -> memref<1x128xf32, #tpu.memory_space<hbm>>
      %dma_wait3A_94 = tpu.memref_squeeze %dma_wait3A_93 : memref<1x128xf32, #tpu.memory_space<hbm>> -> memref<128xf32, #tpu.memory_space<hbm>>
      %dma_wait3A_95 = arith.constant 0 : i32
      %dma_wait3A_96 = tpu.memref_slice %arg7[%run_scoped3A_51, %dma_wait3A_95] : memref<8x128xf32, #tpu.memory_space<vmem>> -> memref<1x128xf32, #tpu.memory_space<vmem>>
      %dma_wait3A_97 = tpu.memref_squeeze %dma_wait3A_96 : memref<1x128xf32, #tpu.memory_space<vmem>> -> memref<128xf32, #tpu.memory_space<vmem>>
      tpu.wait_dma2 semaphore(%run_scoped3A_77 : memref<!tpu.dma_semaphore, #tpu.memory_space<semaphore_mem>>) src(%dma_wait3A_97 : memref<128xf32, #tpu.memory_space<vmem>>) dst(%dma_wait3A_94 : memref<128xf32, #tpu.memory_space<hbm>>)
      tpu.yield
    }) : () -> ()
    %add3A_52 = arith.constant 3 : i32
    %add3A_53 = arith.addi %mul3A_32, %add3A_52 : i32
    %mul3A_54 = arith.constant 128 : i32
    %mul3A_55 = arith.muli %add3A_53, %mul3A_54 : i32
    %run_scoped3A_56 = arith.constant 3 : i32
    "tpu.region"() ({
      %run_scoped3A_77 = tpu.sem_alloc : memref<!tpu.dma_semaphore, #tpu.memory_space<semaphore_mem>>
      %dma_start3A_78 = arith.constant 0 : i32
      %dma_start3A_79 = tpu.memref_slice %arg7[%run_scoped3A_56, %dma_start3A_78] : memref<8x128xf32, #tpu.memory_space<vmem>> -> memref<1x128xf32, #tpu.memory_space<vmem>>
      %dma_start3A_80 = tpu.memref_squeeze %dma_start3A_79 : memref<1x128xf32, #tpu.memory_space<vmem>> -> memref<128xf32, #tpu.memory_space<vmem>>
      %dma_start3A_81 = tpu.memref_slice %arg5[%select_n3A, %mul3A_55] : memref<8x4096xf32, #tpu.memory_space<hbm>> -> memref<1x128xf32, #tpu.memory_space<hbm>>
      %dma_start3A_82 = tpu.memref_squeeze %dma_start3A_81 : memref<1x128xf32, #tpu.memory_space<hbm>> -> memref<128xf32, #tpu.memory_space<hbm>>
      %dma_start3A_83 = tpu.memref_slice %arg5[%select_n3A, %mul3A_55] : memref<8x4096xf32, #tpu.memory_space<hbm>> -> memref<1x128xf32, #tpu.memory_space<hbm>>
      %dma_start3A_84 = tpu.memref_squeeze %dma_start3A_83 : memref<1x128xf32, #tpu.memory_space<hbm>> -> memref<128xf32, #tpu.memory_space<hbm>>
      %dma_start3A_85 = arith.constant 0 : i32
      %dma_start3A_86 = tpu.memref_slice %arg7[%run_scoped3A_56, %dma_start3A_85] : memref<8x128xf32, #tpu.memory_space<vmem>> -> memref<1x128xf32, #tpu.memory_space<vmem>>
      %dma_start3A_87 = tpu.memref_squeeze %dma_start3A_86 : memref<1x128xf32, #tpu.memory_space<vmem>> -> memref<128xf32, #tpu.memory_space<vmem>>
      tpu.enqueue_dma source(%dma_start3A_87 : memref<128xf32, #tpu.memory_space<vmem>>) target(%dma_start3A_84 : memref<128xf32, #tpu.memory_space<hbm>>) target_semaphore(%run_scoped3A_77 : memref<!tpu.dma_semaphore, #tpu.memory_space<semaphore_mem>>)
      %dma_wait3A_88 = arith.constant 0 : i32
      %dma_wait3A_89 = tpu.memref_slice %arg7[%run_scoped3A_56, %dma_wait3A_88] : memref<8x128xf32, #tpu.memory_space<vmem>> -> memref<1x128xf32, #tpu.memory_space<vmem>>
      %dma_wait3A_90 = tpu.memref_squeeze %dma_wait3A_89 : memref<1x128xf32, #tpu.memory_space<vmem>> -> memref<128xf32, #tpu.memory_space<vmem>>
      %dma_wait3A_91 = tpu.memref_slice %arg5[%select_n3A, %mul3A_55] : memref<8x4096xf32, #tpu.memory_space<hbm>> -> memref<1x128xf32, #tpu.memory_space<hbm>>
      %dma_wait3A_92 = tpu.memref_squeeze %dma_wait3A_91 : memref<1x128xf32, #tpu.memory_space<hbm>> -> memref<128xf32, #tpu.memory_space<hbm>>
      %dma_wait3A_93 = tpu.memref_slice %arg5[%select_n3A, %mul3A_55] : memref<8x4096xf32, #tpu.memory_space<hbm>> -> memref<1x128xf32, #tpu.memory_space<hbm>>
      %dma_wait3A_94 = tpu.memref_squeeze %dma_wait3A_93 : memref<1x128xf32, #tpu.memory_space<hbm>> -> memref<128xf32, #tpu.memory_space<hbm>>
      %dma_wait3A_95 = arith.constant 0 : i32
      %dma_wait3A_96 = tpu.memref_slice %arg7[%run_scoped3A_56, %dma_wait3A_95] : memref<8x128xf32, #tpu.memory_space<vmem>> -> memref<1x128xf32, #tpu.memory_space<vmem>>
      %dma_wait3A_97 = tpu.memref_squeeze %dma_wait3A_96 : memref<1x128xf32, #tpu.memory_space<vmem>> -> memref<128xf32, #tpu.memory_space<vmem>>
      tpu.wait_dma2 semaphore(%run_scoped3A_77 : memref<!tpu.dma_semaphore, #tpu.memory_space<semaphore_mem>>) src(%dma_wait3A_97 : memref<128xf32, #tpu.memory_space<vmem>>) dst(%dma_wait3A_94 : memref<128xf32, #tpu.memory_space<hbm>>)
      tpu.yield
    }) : () -> ()
    %add3A_57 = arith.constant 4 : i32
    %add3A_58 = arith.addi %mul3A_32, %add3A_57 : i32
    %mul3A_59 = arith.constant 128 : i32
    %mul3A_60 = arith.muli %add3A_58, %mul3A_59 : i32
    %run_scoped3A_61 = arith.constant 4 : i32
    "tpu.region"() ({
      %run_scoped3A_77 = tpu.sem_alloc : memref<!tpu.dma_semaphore, #tpu.memory_space<semaphore_mem>>
      %dma_start3A_78 = arith.constant 0 : i32
      %dma_start3A_79 = tpu.memref_slice %arg7[%run_scoped3A_61, %dma_start3A_78] : memref<8x128xf32, #tpu.memory_space<vmem>> -> memref<1x128xf32, #tpu.memory_space<vmem>>
      %dma_start3A_80 = tpu.memref_squeeze %dma_start3A_79 : memref<1x128xf32, #tpu.memory_space<vmem>> -> memref<128xf32, #tpu.memory_space<vmem>>
      %dma_start3A_81 = tpu.memref_slice %arg5[%select_n3A, %mul3A_60] : memref<8x4096xf32, #tpu.memory_space<hbm>> -> memref<1x128xf32, #tpu.memory_space<hbm>>
      %dma_start3A_82 = tpu.memref_squeeze %dma_start3A_81 : memref<1x128xf32, #tpu.memory_space<hbm>> -> memref<128xf32, #tpu.memory_space<hbm>>
      %dma_start3A_83 = tpu.memref_slice %arg5[%select_n3A, %mul3A_60] : memref<8x4096xf32, #tpu.memory_space<hbm>> -> memref<1x128xf32, #tpu.memory_space<hbm>>
      %dma_start3A_84 = tpu.memref_squeeze %dma_start3A_83 : memref<1x128xf32, #tpu.memory_space<hbm>> -> memref<128xf32, #tpu.memory_space<hbm>>
      %dma_start3A_85 = arith.constant 0 : i32
      %dma_start3A_86 = tpu.memref_slice %arg7[%run_scoped3A_61, %dma_start3A_85] : memref<8x128xf32, #tpu.memory_space<vmem>> -> memref<1x128xf32, #tpu.memory_space<vmem>>
      %dma_start3A_87 = tpu.memref_squeeze %dma_start3A_86 : memref<1x128xf32, #tpu.memory_space<vmem>> -> memref<128xf32, #tpu.memory_space<vmem>>
      tpu.enqueue_dma source(%dma_start3A_87 : memref<128xf32, #tpu.memory_space<vmem>>) target(%dma_start3A_84 : memref<128xf32, #tpu.memory_space<hbm>>) target_semaphore(%run_scoped3A_77 : memref<!tpu.dma_semaphore, #tpu.memory_space<semaphore_mem>>)
      %dma_wait3A_88 = arith.constant 0 : i32
      %dma_wait3A_89 = tpu.memref_slice %arg7[%run_scoped3A_61, %dma_wait3A_88] : memref<8x128xf32, #tpu.memory_space<vmem>> -> memref<1x128xf32, #tpu.memory_space<vmem>>
      %dma_wait3A_90 = tpu.memref_squeeze %dma_wait3A_89 : memref<1x128xf32, #tpu.memory_space<vmem>> -> memref<128xf32, #tpu.memory_space<vmem>>
      %dma_wait3A_91 = tpu.memref_slice %arg5[%select_n3A, %mul3A_60] : memref<8x4096xf32, #tpu.memory_space<hbm>> -> memref<1x128xf32, #tpu.memory_space<hbm>>
      %dma_wait3A_92 = tpu.memref_squeeze %dma_wait3A_91 : memref<1x128xf32, #tpu.memory_space<hbm>> -> memref<128xf32, #tpu.memory_space<hbm>>
      %dma_wait3A_93 = tpu.memref_slice %arg5[%select_n3A, %mul3A_60] : memref<8x4096xf32, #tpu.memory_space<hbm>> -> memref<1x128xf32, #tpu.memory_space<hbm>>
      %dma_wait3A_94 = tpu.memref_squeeze %dma_wait3A_93 : memref<1x128xf32, #tpu.memory_space<hbm>> -> memref<128xf32, #tpu.memory_space<hbm>>
      %dma_wait3A_95 = arith.constant 0 : i32
      %dma_wait3A_96 = tpu.memref_slice %arg7[%run_scoped3A_61, %dma_wait3A_95] : memref<8x128xf32, #tpu.memory_space<vmem>> -> memref<1x128xf32, #tpu.memory_space<vmem>>
      %dma_wait3A_97 = tpu.memref_squeeze %dma_wait3A_96 : memref<1x128xf32, #tpu.memory_space<vmem>> -> memref<128xf32, #tpu.memory_space<vmem>>
      tpu.wait_dma2 semaphore(%run_scoped3A_77 : memref<!tpu.dma_semaphore, #tpu.memory_space<semaphore_mem>>) src(%dma_wait3A_97 : memref<128xf32, #tpu.memory_space<vmem>>) dst(%dma_wait3A_94 : memref<128xf32, #tpu.memory_space<hbm>>)
      tpu.yield
    }) : () -> ()
    %add3A_62 = arith.constant 5 : i32
    %add3A_63 = arith.addi %mul3A_32, %add3A_62 : i32
    %mul3A_64 = arith.constant 128 : i32
    %mul3A_65 = arith.muli %add3A_63, %mul3A_64 : i32
    %run_scoped3A_66 = arith.constant 5 : i32
    "tpu.region"() ({
      %run_scoped3A_77 = tpu.sem_alloc : memref<!tpu.dma_semaphore, #tpu.memory_space<semaphore_mem>>
      %dma_start3A_78 = arith.constant 0 : i32
      %dma_start3A_79 = tpu.memref_slice %arg7[%run_scoped3A_66, %dma_start3A_78] : memref<8x128xf32, #tpu.memory_space<vmem>> -> memref<1x128xf32, #tpu.memory_space<vmem>>
      %dma_start3A_80 = tpu.memref_squeeze %dma_start3A_79 : memref<1x128xf32, #tpu.memory_space<vmem>> -> memref<128xf32, #tpu.memory_space<vmem>>
      %dma_start3A_81 = tpu.memref_slice %arg5[%select_n3A, %mul3A_65] : memref<8x4096xf32, #tpu.memory_space<hbm>> -> memref<1x128xf32, #tpu.memory_space<hbm>>
      %dma_start3A_82 = tpu.memref_squeeze %dma_start3A_81 : memref<1x128xf32, #tpu.memory_space<hbm>> -> memref<128xf32, #tpu.memory_space<hbm>>
      %dma_start3A_83 = tpu.memref_slice %arg5[%select_n3A, %mul3A_65] : memref<8x4096xf32, #tpu.memory_space<hbm>> -> memref<1x128xf32, #tpu.memory_space<hbm>>
      %dma_start3A_84 = tpu.memref_squeeze %dma_start3A_83 : memref<1x128xf32, #tpu.memory_space<hbm>> -> memref<128xf32, #tpu.memory_space<hbm>>
      %dma_start3A_85 = arith.constant 0 : i32
      %dma_start3A_86 = tpu.memref_slice %arg7[%run_scoped3A_66, %dma_start3A_85] : memref<8x128xf32, #tpu.memory_space<vmem>> -> memref<1x128xf32, #tpu.memory_space<vmem>>
      %dma_start3A_87 = tpu.memref_squeeze %dma_start3A_86 : memref<1x128xf32, #tpu.memory_space<vmem>> -> memref<128xf32, #tpu.memory_space<vmem>>
      tpu.enqueue_dma source(%dma_start3A_87 : memref<128xf32, #tpu.memory_space<vmem>>) target(%dma_start3A_84 : memref<128xf32, #tpu.memory_space<hbm>>) target_semaphore(%run_scoped3A_77 : memref<!tpu.dma_semaphore, #tpu.memory_space<semaphore_mem>>)
      %dma_wait3A_88 = arith.constant 0 : i32
      %dma_wait3A_89 = tpu.memref_slice %arg7[%run_scoped3A_66, %dma_wait3A_88] : memref<8x128xf32, #tpu.memory_space<vmem>> -> memref<1x128xf32, #tpu.memory_space<vmem>>
      %dma_wait3A_90 = tpu.memref_squeeze %dma_wait3A_89 : memref<1x128xf32, #tpu.memory_space<vmem>> -> memref<128xf32, #tpu.memory_space<vmem>>
      %dma_wait3A_91 = tpu.memref_slice %arg5[%select_n3A, %mul3A_65] : memref<8x4096xf32, #tpu.memory_space<hbm>> -> memref<1x128xf32, #tpu.memory_space<hbm>>
      %dma_wait3A_92 = tpu.memref_squeeze %dma_wait3A_91 : memref<1x128xf32, #tpu.memory_space<hbm>> -> memref<128xf32, #tpu.memory_space<hbm>>
      %dma_wait3A_93 = tpu.memref_slice %arg5[%select_n3A, %mul3A_65] : memref<8x4096xf32, #tpu.memory_space<hbm>> -> memref<1x128xf32, #tpu.memory_space<hbm>>
      %dma_wait3A_94 = tpu.memref_squeeze %dma_wait3A_93 : memref<1x128xf32, #tpu.memory_space<hbm>> -> memref<128xf32, #tpu.memory_space<hbm>>
      %dma_wait3A_95 = arith.constant 0 : i32
      %dma_wait3A_96 = tpu.memref_slice %arg7[%run_scoped3A_66, %dma_wait3A_95] : memref<8x128xf32, #tpu.memory_space<vmem>> -> memref<1x128xf32, #tpu.memory_space<vmem>>
      %dma_wait3A_97 = tpu.memref_squeeze %dma_wait3A_96 : memref<1x128xf32, #tpu.memory_space<vmem>> -> memref<128xf32, #tpu.memory_space<vmem>>
      tpu.wait_dma2 semaphore(%run_scoped3A_77 : memref<!tpu.dma_semaphore, #tpu.memory_space<semaphore_mem>>) src(%dma_wait3A_97 : memref<128xf32, #tpu.memory_space<vmem>>) dst(%dma_wait3A_94 : memref<128xf32, #tpu.memory_space<hbm>>)
      tpu.yield
    }) : () -> ()
    %add3A_67 = arith.constant 6 : i32
    %add3A_68 = arith.addi %mul3A_32, %add3A_67 : i32
    %mul3A_69 = arith.constant 128 : i32
    %mul3A_70 = arith.muli %add3A_68, %mul3A_69 : i32
    %run_scoped3A_71 = arith.constant 6 : i32
    "tpu.region"() ({
      %run_scoped3A_77 = tpu.sem_alloc : memref<!tpu.dma_semaphore, #tpu.memory_space<semaphore_mem>>
      %dma_start3A_78 = arith.constant 0 : i32
      %dma_start3A_79 = tpu.memref_slice %arg7[%run_scoped3A_71, %dma_start3A_78] : memref<8x128xf32, #tpu.memory_space<vmem>> -> memref<1x128xf32, #tpu.memory_space<vmem>>
      %dma_start3A_80 = tpu.memref_squeeze %dma_start3A_79 : memref<1x128xf32, #tpu.memory_space<vmem>> -> memref<128xf32, #tpu.memory_space<vmem>>
      %dma_start3A_81 = tpu.memref_slice %arg5[%select_n3A, %mul3A_70] : memref<8x4096xf32, #tpu.memory_space<hbm>> -> memref<1x128xf32, #tpu.memory_space<hbm>>
      %dma_start3A_82 = tpu.memref_squeeze %dma_start3A_81 : memref<1x128xf32, #tpu.memory_space<hbm>> -> memref<128xf32, #tpu.memory_space<hbm>>
      %dma_start3A_83 = tpu.memref_slice %arg5[%select_n3A, %mul3A_70] : memref<8x4096xf32, #tpu.memory_space<hbm>> -> memref<1x128xf32, #tpu.memory_space<hbm>>
      %dma_start3A_84 = tpu.memref_squeeze %dma_start3A_83 : memref<1x128xf32, #tpu.memory_space<hbm>> -> memref<128xf32, #tpu.memory_space<hbm>>
      %dma_start3A_85 = arith.constant 0 : i32
      %dma_start3A_86 = tpu.memref_slice %arg7[%run_scoped3A_71, %dma_start3A_85] : memref<8x128xf32, #tpu.memory_space<vmem>> -> memref<1x128xf32, #tpu.memory_space<vmem>>
      %dma_start3A_87 = tpu.memref_squeeze %dma_start3A_86 : memref<1x128xf32, #tpu.memory_space<vmem>> -> memref<128xf32, #tpu.memory_space<vmem>>
      tpu.enqueue_dma source(%dma_start3A_87 : memref<128xf32, #tpu.memory_space<vmem>>) target(%dma_start3A_84 : memref<128xf32, #tpu.memory_space<hbm>>) target_semaphore(%run_scoped3A_77 : memref<!tpu.dma_semaphore, #tpu.memory_space<semaphore_mem>>)
      %dma_wait3A_88 = arith.constant 0 : i32
      %dma_wait3A_89 = tpu.memref_slice %arg7[%run_scoped3A_71, %dma_wait3A_88] : memref<8x128xf32, #tpu.memory_space<vmem>> -> memref<1x128xf32, #tpu.memory_space<vmem>>
      %dma_wait3A_90 = tpu.memref_squeeze %dma_wait3A_89 : memref<1x128xf32, #tpu.memory_space<vmem>> -> memref<128xf32, #tpu.memory_space<vmem>>
      %dma_wait3A_91 = tpu.memref_slice %arg5[%select_n3A, %mul3A_70] : memref<8x4096xf32, #tpu.memory_space<hbm>> -> memref<1x128xf32, #tpu.memory_space<hbm>>
      %dma_wait3A_92 = tpu.memref_squeeze %dma_wait3A_91 : memref<1x128xf32, #tpu.memory_space<hbm>> -> memref<128xf32, #tpu.memory_space<hbm>>
      %dma_wait3A_93 = tpu.memref_slice %arg5[%select_n3A, %mul3A_70] : memref<8x4096xf32, #tpu.memory_space<hbm>> -> memref<1x128xf32, #tpu.memory_space<hbm>>
      %dma_wait3A_94 = tpu.memref_squeeze %dma_wait3A_93 : memref<1x128xf32, #tpu.memory_space<hbm>> -> memref<128xf32, #tpu.memory_space<hbm>>
      %dma_wait3A_95 = arith.constant 0 : i32
      %dma_wait3A_96 = tpu.memref_slice %arg7[%run_scoped3A_71, %dma_wait3A_95] : memref<8x128xf32, #tpu.memory_space<vmem>> -> memref<1x128xf32, #tpu.memory_space<vmem>>
      %dma_wait3A_97 = tpu.memref_squeeze %dma_wait3A_96 : memref<1x128xf32, #tpu.memory_space<vmem>> -> memref<128xf32, #tpu.memory_space<vmem>>
      tpu.wait_dma2 semaphore(%run_scoped3A_77 : memref<!tpu.dma_semaphore, #tpu.memory_space<semaphore_mem>>) src(%dma_wait3A_97 : memref<128xf32, #tpu.memory_space<vmem>>) dst(%dma_wait3A_94 : memref<128xf32, #tpu.memory_space<hbm>>)
      tpu.yield
    }) : () -> ()
    %add3A_72 = arith.constant 7 : i32
    %add3A_73 = arith.addi %mul3A_32, %add3A_72 : i32
    %mul3A_74 = arith.constant 128 : i32
    %mul3A_75 = arith.muli %add3A_73, %mul3A_74 : i32
    %run_scoped3A_76 = arith.constant 7 : i32
    "tpu.region"() ({
      %run_scoped3A_77 = tpu.sem_alloc : memref<!tpu.dma_semaphore, #tpu.memory_space<semaphore_mem>>
      %dma_start3A_78 = arith.constant 0 : i32
      %dma_start3A_79 = tpu.memref_slice %arg7[%run_scoped3A_76, %dma_start3A_78] : memref<8x128xf32, #tpu.memory_space<vmem>> -> memref<1x128xf32, #tpu.memory_space<vmem>>
      %dma_start3A_80 = tpu.memref_squeeze %dma_start3A_79 : memref<1x128xf32, #tpu.memory_space<vmem>> -> memref<128xf32, #tpu.memory_space<vmem>>
      %dma_start3A_81 = tpu.memref_slice %arg5[%select_n3A, %mul3A_75] : memref<8x4096xf32, #tpu.memory_space<hbm>> -> memref<1x128xf32, #tpu.memory_space<hbm>>
      %dma_start3A_82 = tpu.memref_squeeze %dma_start3A_81 : memref<1x128xf32, #tpu.memory_space<hbm>> -> memref<128xf32, #tpu.memory_space<hbm>>
      %dma_start3A_83 = tpu.memref_slice %arg5[%select_n3A, %mul3A_75] : memref<8x4096xf32, #tpu.memory_space<hbm>> -> memref<1x128xf32, #tpu.memory_space<hbm>>
      %dma_start3A_84 = tpu.memref_squeeze %dma_start3A_83 : memref<1x128xf32, #tpu.memory_space<hbm>> -> memref<128xf32, #tpu.memory_space<hbm>>
      %dma_start3A_85 = arith.constant 0 : i32
      %dma_start3A_86 = tpu.memref_slice %arg7[%run_scoped3A_76, %dma_start3A_85] : memref<8x128xf32, #tpu.memory_space<vmem>> -> memref<1x128xf32, #tpu.memory_space<vmem>>
      %dma_start3A_87 = tpu.memref_squeeze %dma_start3A_86 : memref<1x128xf32, #tpu.memory_space<vmem>> -> memref<128xf32, #tpu.memory_space<vmem>>
      tpu.enqueue_dma source(%dma_start3A_87 : memref<128xf32, #tpu.memory_space<vmem>>) target(%dma_start3A_84 : memref<128xf32, #tpu.memory_space<hbm>>) target_semaphore(%run_scoped3A_77 : memref<!tpu.dma_semaphore, #tpu.memory_space<semaphore_mem>>)
      %dma_wait3A_88 = arith.constant 0 : i32
      %dma_wait3A_89 = tpu.memref_slice %arg7[%run_scoped3A_76, %dma_wait3A_88] : memref<8x128xf32, #tpu.memory_space<vmem>> -> memref<1x128xf32, #tpu.memory_space<vmem>>
      %dma_wait3A_90 = tpu.memref_squeeze %dma_wait3A_89 : memref<1x128xf32, #tpu.memory_space<vmem>> -> memref<128xf32, #tpu.memory_space<vmem>>
      %dma_wait3A_91 = tpu.memref_slice %arg5[%select_n3A, %mul3A_75] : memref<8x4096xf32, #tpu.memory_space<hbm>> -> memref<1x128xf32, #tpu.memory_space<hbm>>
      %dma_wait3A_92 = tpu.memref_squeeze %dma_wait3A_91 : memref<1x128xf32, #tpu.memory_space<hbm>> -> memref<128xf32, #tpu.memory_space<hbm>>
      %dma_wait3A_93 = tpu.memref_slice %arg5[%select_n3A, %mul3A_75] : memref<8x4096xf32, #tpu.memory_space<hbm>> -> memref<1x128xf32, #tpu.memory_space<hbm>>
      %dma_wait3A_94 = tpu.memref_squeeze %dma_wait3A_93 : memref<1x128xf32, #tpu.memory_space<hbm>> -> memref<128xf32, #tpu.memory_space<hbm>>
      %dma_wait3A_95 = arith.constant 0 : i32
      %dma_wait3A_96 = tpu.memref_slice %arg7[%run_scoped3A_76, %dma_wait3A_95] : memref<8x128xf32, #tpu.memory_space<vmem>> -> memref<1x128xf32, #tpu.memory_space<vmem>>
      %dma_wait3A_97 = tpu.memref_squeeze %dma_wait3A_96 : memref<1x128xf32, #tpu.memory_space<vmem>> -> memref<128xf32, #tpu.memory_space<vmem>>
      tpu.wait_dma2 semaphore(%run_scoped3A_77 : memref<!tpu.dma_semaphore, #tpu.memory_space<semaphore_mem>>) src(%dma_wait3A_97 : memref<128xf32, #tpu.memory_space<vmem>>) dst(%dma_wait3A_94 : memref<128xf32, #tpu.memory_space<hbm>>)
      tpu.yield
    }) : () -> ()
    return
  }
}

module attributes {stable_mosaic.version = 14 : i64} {
  func.func @_main_body(%arg0: memref<8x128xi32, #tpu.memory_space<vmem>>, %arg1: memref<8x128xi32, #tpu.memory_space<vmem>>, %arg2: memref<8x128xi32, #tpu.memory_space<vmem>>, %arg3: memref<8x32x128xf32, #tpu.memory_space<vmem>>, %arg4: memref<8x4096xf32, #tpu.memory_space<vmem>>, %arg5: memref<4x128x128xf32, #tpu.memory_space<vmem>>, %arg6: memref<128x128xf32, #tpu.memory_space<vmem>>, %arg7: memref<4096x128xf32, #tpu.memory_space<vmem>>, %arg8: memref<128x128xf32, #tpu.memory_space<vmem>>, %arg9: memref<1x50000xf32, #tpu.memory_space<vmem>>, %arg10: memref<50000x128xf32, #tpu.memory_space<any>>, %arg11: memref<8x50000xf32, #tpu.memory_space<vmem>>, %arg12: memref<1x8xf32, #tpu.memory_space<vmem>>, %arg13: memref<6272x128xf32, #tpu.memory_space<vmem>>, %arg14: memref<6272x128xf32, #tpu.memory_space<vmem>>, %arg15: memref<6272x128xf32, #tpu.memory_space<vmem>>, %arg16: memref<6272x128xf32, #tpu.memory_space<vmem>>, %arg17: memref<6272x128xf32, #tpu.memory_space<vmem>>, %arg18: memref<6272x128xf32, #tpu.memory_space<vmem>>, %arg19: memref<6272x128xf32, #tpu.memory_space<vmem>>, %arg20: memref<6096x128xf32, #tpu.memory_space<vmem>>, %arg21: memref<8x!tpu.dma_semaphore, #tpu.memory_space<semaphore_mem>>) attributes {dimension_semantics = [], scalar_prefetch = 0 : i64, scratch_operands = 9 : i64, tpu.core_type = #tpu.core_type<tc>} {
    %dma_start3A = arith.constant 0 : i32
    %dma_start3A_0 = tpu.memref_slice %arg21[%dma_start3A] : memref<8x!tpu.dma_semaphore, #tpu.memory_space<semaphore_mem>> -> memref<1x!tpu.dma_semaphore, #tpu.memory_space<semaphore_mem>>
    %dma_start3A_1 = tpu.memref_squeeze %dma_start3A_0 : memref<1x!tpu.dma_semaphore, #tpu.memory_space<semaphore_mem>> -> memref<!tpu.dma_semaphore, #tpu.memory_space<semaphore_mem>>
    %dma_start3A_2 = arith.constant 0 : i32
    %dma_start3A_3 = arith.constant 0 : i32
    %dma_start3A_4 = tpu.memref_slice %arg10[%dma_start3A_2, %dma_start3A_3] : memref<50000x128xf32, #tpu.memory_space<any>> -> memref<6272x128xf32, #tpu.memory_space<any>>
    tpu.enqueue_dma source(%dma_start3A_4 : memref<6272x128xf32, #tpu.memory_space<any>>) target(%arg13 : memref<6272x128xf32, #tpu.memory_space<vmem>>) target_semaphore(%dma_start3A_1 : memref<!tpu.dma_semaphore, #tpu.memory_space<semaphore_mem>>)
    %dma_start3A_5 = arith.constant 1 : i32
    %dma_start3A_6 = tpu.memref_slice %arg21[%dma_start3A_5] : memref<8x!tpu.dma_semaphore, #tpu.memory_space<semaphore_mem>> -> memref<1x!tpu.dma_semaphore, #tpu.memory_space<semaphore_mem>>
    %dma_start3A_7 = tpu.memref_squeeze %dma_start3A_6 : memref<1x!tpu.dma_semaphore, #tpu.memory_space<semaphore_mem>> -> memref<!tpu.dma_semaphore, #tpu.memory_space<semaphore_mem>>
    %dma_start3A_8 = arith.constant 6272 : i32
    %dma_start3A_9 = arith.constant 0 : i32
    %dma_start3A_10 = tpu.memref_slice %arg10[%dma_start3A_8, %dma_start3A_9] : memref<50000x128xf32, #tpu.memory_space<any>> -> memref<6272x128xf32, #tpu.memory_space<any>>
    tpu.enqueue_dma source(%dma_start3A_10 : memref<6272x128xf32, #tpu.memory_space<any>>) target(%arg14 : memref<6272x128xf32, #tpu.memory_space<vmem>>) target_semaphore(%dma_start3A_7 : memref<!tpu.dma_semaphore, #tpu.memory_space<semaphore_mem>>)
    %dma_start3A_11 = arith.constant 2 : i32
    %dma_start3A_12 = tpu.memref_slice %arg21[%dma_start3A_11] : memref<8x!tpu.dma_semaphore, #tpu.memory_space<semaphore_mem>> -> memref<1x!tpu.dma_semaphore, #tpu.memory_space<semaphore_mem>>
    %dma_start3A_13 = tpu.memref_squeeze %dma_start3A_12 : memref<1x!tpu.dma_semaphore, #tpu.memory_space<semaphore_mem>> -> memref<!tpu.dma_semaphore, #tpu.memory_space<semaphore_mem>>
    %dma_start3A_14 = arith.constant 12544 : i32
    %dma_start3A_15 = arith.constant 0 : i32
    %dma_start3A_16 = tpu.memref_slice %arg10[%dma_start3A_14, %dma_start3A_15] : memref<50000x128xf32, #tpu.memory_space<any>> -> memref<6272x128xf32, #tpu.memory_space<any>>
    tpu.enqueue_dma source(%dma_start3A_16 : memref<6272x128xf32, #tpu.memory_space<any>>) target(%arg15 : memref<6272x128xf32, #tpu.memory_space<vmem>>) target_semaphore(%dma_start3A_13 : memref<!tpu.dma_semaphore, #tpu.memory_space<semaphore_mem>>)
    %dma_start3A_17 = arith.constant 3 : i32
    %dma_start3A_18 = tpu.memref_slice %arg21[%dma_start3A_17] : memref<8x!tpu.dma_semaphore, #tpu.memory_space<semaphore_mem>> -> memref<1x!tpu.dma_semaphore, #tpu.memory_space<semaphore_mem>>
    %dma_start3A_19 = tpu.memref_squeeze %dma_start3A_18 : memref<1x!tpu.dma_semaphore, #tpu.memory_space<semaphore_mem>> -> memref<!tpu.dma_semaphore, #tpu.memory_space<semaphore_mem>>
    %dma_start3A_20 = arith.constant 18816 : i32
    %dma_start3A_21 = arith.constant 0 : i32
    %dma_start3A_22 = tpu.memref_slice %arg10[%dma_start3A_20, %dma_start3A_21] : memref<50000x128xf32, #tpu.memory_space<any>> -> memref<6272x128xf32, #tpu.memory_space<any>>
    tpu.enqueue_dma source(%dma_start3A_22 : memref<6272x128xf32, #tpu.memory_space<any>>) target(%arg16 : memref<6272x128xf32, #tpu.memory_space<vmem>>) target_semaphore(%dma_start3A_19 : memref<!tpu.dma_semaphore, #tpu.memory_space<semaphore_mem>>)
    %dma_start3A_23 = arith.constant 4 : i32
    %dma_start3A_24 = tpu.memref_slice %arg21[%dma_start3A_23] : memref<8x!tpu.dma_semaphore, #tpu.memory_space<semaphore_mem>> -> memref<1x!tpu.dma_semaphore, #tpu.memory_space<semaphore_mem>>
    %dma_start3A_25 = tpu.memref_squeeze %dma_start3A_24 : memref<1x!tpu.dma_semaphore, #tpu.memory_space<semaphore_mem>> -> memref<!tpu.dma_semaphore, #tpu.memory_space<semaphore_mem>>
    %dma_start3A_26 = arith.constant 25088 : i32
    %dma_start3A_27 = arith.constant 0 : i32
    %dma_start3A_28 = tpu.memref_slice %arg10[%dma_start3A_26, %dma_start3A_27] : memref<50000x128xf32, #tpu.memory_space<any>> -> memref<6272x128xf32, #tpu.memory_space<any>>
    tpu.enqueue_dma source(%dma_start3A_28 : memref<6272x128xf32, #tpu.memory_space<any>>) target(%arg17 : memref<6272x128xf32, #tpu.memory_space<vmem>>) target_semaphore(%dma_start3A_25 : memref<!tpu.dma_semaphore, #tpu.memory_space<semaphore_mem>>)
    %dma_start3A_29 = arith.constant 5 : i32
    %dma_start3A_30 = tpu.memref_slice %arg21[%dma_start3A_29] : memref<8x!tpu.dma_semaphore, #tpu.memory_space<semaphore_mem>> -> memref<1x!tpu.dma_semaphore, #tpu.memory_space<semaphore_mem>>
    %dma_start3A_31 = tpu.memref_squeeze %dma_start3A_30 : memref<1x!tpu.dma_semaphore, #tpu.memory_space<semaphore_mem>> -> memref<!tpu.dma_semaphore, #tpu.memory_space<semaphore_mem>>
    %dma_start3A_32 = arith.constant 31360 : i32
    %dma_start3A_33 = arith.constant 0 : i32
    %dma_start3A_34 = tpu.memref_slice %arg10[%dma_start3A_32, %dma_start3A_33] : memref<50000x128xf32, #tpu.memory_space<any>> -> memref<6272x128xf32, #tpu.memory_space<any>>
    tpu.enqueue_dma source(%dma_start3A_34 : memref<6272x128xf32, #tpu.memory_space<any>>) target(%arg18 : memref<6272x128xf32, #tpu.memory_space<vmem>>) target_semaphore(%dma_start3A_31 : memref<!tpu.dma_semaphore, #tpu.memory_space<semaphore_mem>>)
    %dma_start3A_35 = arith.constant 6 : i32
    %dma_start3A_36 = tpu.memref_slice %arg21[%dma_start3A_35] : memref<8x!tpu.dma_semaphore, #tpu.memory_space<semaphore_mem>> -> memref<1x!tpu.dma_semaphore, #tpu.memory_space<semaphore_mem>>
    %dma_start3A_37 = tpu.memref_squeeze %dma_start3A_36 : memref<1x!tpu.dma_semaphore, #tpu.memory_space<semaphore_mem>> -> memref<!tpu.dma_semaphore, #tpu.memory_space<semaphore_mem>>
    %dma_start3A_38 = arith.constant 37632 : i32
    %dma_start3A_39 = arith.constant 0 : i32
    %dma_start3A_40 = tpu.memref_slice %arg10[%dma_start3A_38, %dma_start3A_39] : memref<50000x128xf32, #tpu.memory_space<any>> -> memref<6272x128xf32, #tpu.memory_space<any>>
    tpu.enqueue_dma source(%dma_start3A_40 : memref<6272x128xf32, #tpu.memory_space<any>>) target(%arg19 : memref<6272x128xf32, #tpu.memory_space<vmem>>) target_semaphore(%dma_start3A_37 : memref<!tpu.dma_semaphore, #tpu.memory_space<semaphore_mem>>)
    %dma_start3A_41 = arith.constant 7 : i32
    %dma_start3A_42 = tpu.memref_slice %arg21[%dma_start3A_41] : memref<8x!tpu.dma_semaphore, #tpu.memory_space<semaphore_mem>> -> memref<1x!tpu.dma_semaphore, #tpu.memory_space<semaphore_mem>>
    %dma_start3A_43 = tpu.memref_squeeze %dma_start3A_42 : memref<1x!tpu.dma_semaphore, #tpu.memory_space<semaphore_mem>> -> memref<!tpu.dma_semaphore, #tpu.memory_space<semaphore_mem>>
    %dma_start3A_44 = arith.constant 43904 : i32
    %dma_start3A_45 = arith.constant 0 : i32
    %dma_start3A_46 = tpu.memref_slice %arg10[%dma_start3A_44, %dma_start3A_45] : memref<50000x128xf32, #tpu.memory_space<any>> -> memref<6096x128xf32, #tpu.memory_space<any>>
    tpu.enqueue_dma source(%dma_start3A_46 : memref<6096x128xf32, #tpu.memory_space<any>>) target(%arg20 : memref<6096x128xf32, #tpu.memory_space<vmem>>) target_semaphore(%dma_start3A_43 : memref<!tpu.dma_semaphore, #tpu.memory_space<semaphore_mem>>)
    %get3A = arith.constant 0 : index
    %get3A_47 = arith.constant 0 : index
    %get3A_48 = arith.constant 0 : index
    %get3A_49 = vector.load %arg3[%get3A, %get3A_47, %get3A_48] : memref<8x32x128xf32, #tpu.memory_space<vmem>>, vector<8x32x128xf32>
    %reshape3A = vector.shape_cast %get3A_49 : vector<8x32x128xf32> to vector<256x128xf32>
    %get3A_50 = arith.constant 0 : index
    %get3A_51 = arith.constant 0 : index
    %get3A_52 = vector.load %arg4[%get3A_50, %get3A_51] : memref<8x4096xf32, #tpu.memory_space<vmem>>, vector<8x4096xf32>
    %get3A_53 = arith.constant 0 : index
    %get3A_54 = arith.constant 0 : index
    %get3A_55 = vector.load %arg7[%get3A_53, %get3A_54] : memref<4096x128xf32, #tpu.memory_space<vmem>>, vector<4096x128xf32>
    %dot_general3A = arith.constant dense<0.000000e+00> : vector<8x128xf32>
    %dot_general3A_56 = tpu.matmul %get3A_52, %get3A_55, %dot_general3A {dimension_numbers = #tpu.dot_dimension_numbers<[1], [0], [0], [1], [0, 0, 1, 1], [], []>, transpose_lhs_hint = false} : vector<8x4096xf32>, vector<4096x128xf32>, vector<8x128xf32> -> vector<8x128xf32>
    %get3A_57 = arith.constant 0 : index
    %get3A_58 = arith.constant 0 : index
    %get3A_59 = vector.load %arg6[%get3A_57, %get3A_58] : memref<128x128xf32, #tpu.memory_space<vmem>>, vector<128x128xf32>
    %dot_general3A_60 = arith.constant dense<0.000000e+00> : vector<256x128xf32>
    %dot_general3A_61 = tpu.matmul %reshape3A, %get3A_59, %dot_general3A_60 {dimension_numbers = #tpu.dot_dimension_numbers<[1], [0], [0], [1], [0, 0, 1, 1], [], []>, transpose_lhs_hint = false} : vector<256x128xf32>, vector<128x128xf32>, vector<256x128xf32> -> vector<256x128xf32>
    %get3A_62 = arith.constant 0 : index
    %get3A_63 = arith.constant 0 : index
    %get3A_64 = arith.constant 0 : index
    %get3A_65 = vector.load %arg5[%get3A_62, %get3A_63, %get3A_64] : memref<4x128x128xf32, #tpu.memory_space<vmem>>, vector<1x128x128xf32>
    %get3A_66 = vector.shape_cast %get3A_65 : vector<1x128x128xf32> to vector<128x128xf32>
    %dot_general3A_67 = arith.constant dense<0.000000e+00> : vector<256x128xf32>
    %dot_general3A_68 = tpu.matmul %reshape3A, %get3A_66, %dot_general3A_67 {dimension_numbers = #tpu.dot_dimension_numbers<[1], [0], [0], [1], [0, 0, 1, 1], [], []>, transpose_lhs_hint = false} : vector<256x128xf32>, vector<128x128xf32>, vector<256x128xf32> -> vector<256x128xf32>
    %get3A_69 = arith.constant 1 : index
    %get3A_70 = arith.constant 0 : index
    %get3A_71 = arith.constant 0 : index
    %get3A_72 = vector.load %arg5[%get3A_69, %get3A_70, %get3A_71] : memref<4x128x128xf32, #tpu.memory_space<vmem>>, vector<1x128x128xf32>
    %get3A_73 = vector.shape_cast %get3A_72 : vector<1x128x128xf32> to vector<128x128xf32>
    %dot_general3A_74 = arith.constant dense<0.000000e+00> : vector<256x128xf32>
    %dot_general3A_75 = tpu.matmul %reshape3A, %get3A_73, %dot_general3A_74 {dimension_numbers = #tpu.dot_dimension_numbers<[1], [0], [0], [1], [0, 0, 1, 1], [], []>, transpose_lhs_hint = false} : vector<256x128xf32>, vector<128x128xf32>, vector<256x128xf32> -> vector<256x128xf32>
    %get3A_76 = arith.constant 2 : index
    %get3A_77 = arith.constant 0 : index
    %get3A_78 = arith.constant 0 : index
    %get3A_79 = vector.load %arg5[%get3A_76, %get3A_77, %get3A_78] : memref<4x128x128xf32, #tpu.memory_space<vmem>>, vector<1x128x128xf32>
    %get3A_80 = vector.shape_cast %get3A_79 : vector<1x128x128xf32> to vector<128x128xf32>
    %dot_general3A_81 = arith.constant dense<0.000000e+00> : vector<256x128xf32>
    %dot_general3A_82 = tpu.matmul %reshape3A, %get3A_80, %dot_general3A_81 {dimension_numbers = #tpu.dot_dimension_numbers<[1], [0], [0], [1], [0, 0, 1, 1], [], []>, transpose_lhs_hint = false} : vector<256x128xf32>, vector<128x128xf32>, vector<256x128xf32> -> vector<256x128xf32>
    %get3A_83 = arith.constant 3 : index
    %get3A_84 = arith.constant 0 : index
    %get3A_85 = arith.constant 0 : index
    %get3A_86 = vector.load %arg5[%get3A_83, %get3A_84, %get3A_85] : memref<4x128x128xf32, #tpu.memory_space<vmem>>, vector<1x128x128xf32>
    %get3A_87 = vector.shape_cast %get3A_86 : vector<1x128x128xf32> to vector<128x128xf32>
    %dot_general3A_88 = arith.constant dense<0.000000e+00> : vector<256x128xf32>
    %dot_general3A_89 = tpu.matmul %reshape3A, %get3A_87, %dot_general3A_88 {dimension_numbers = #tpu.dot_dimension_numbers<[1], [0], [0], [1], [0, 0, 1, 1], [], []>, transpose_lhs_hint = false} : vector<256x128xf32>, vector<128x128xf32>, vector<256x128xf32> -> vector<256x128xf32>
    %iota3A = tpu.iota {dimensions = array<i32: 0>} : vector<32x128xi32>
    %iota3A_90 = tpu.iota {dimensions = array<i32: 0>} : vector<4x128xi32>
    %iota3A_91 = tpu.iota {dimensions = array<i32: 0>} : vector<32x32xi32>
    %iota3A_92 = tpu.iota {dimensions = array<i32: 1>} : vector<32x32xi32>
    %eq3A = arith.cmpi eq, %iota3A_91, %iota3A_92 : vector<32x32xi32>
    %convert_element_type3A = arith.extui %eq3A : vector<32x32xi1> to vector<32x32xi32>
    %convert_element_type3A_93 = arith.sitofp %convert_element_type3A : vector<32x32xi32> to vector<32x32xf32>
    %get3A_94 = arith.constant 0 : index
    %get3A_95 = arith.constant 0 : index
    %get3A_96 = vector.load %arg0[%get3A_94, %get3A_95] : memref<8x128xi32, #tpu.memory_space<vmem>>, vector<1x128xi32>
    %get3A_97 = arith.constant 0 : index
    %get3A_98 = arith.constant 0 : index
    %get3A_99 = vector.load %arg1[%get3A_97, %get3A_98] : memref<8x128xi32, #tpu.memory_space<vmem>>, vector<1x128xi32>
    %get3A_100 = arith.constant 0 : index
    %get3A_101 = arith.constant 0 : index
    %get3A_102 = vector.load %arg2[%get3A_100, %get3A_101] : memref<8x128xi32, #tpu.memory_space<vmem>>, vector<1x128xi32>
    %eq3A_103 = vector.broadcast %get3A_96 : vector<1x128xi32> to vector<32x128xi32>
    %eq3A_104 = arith.cmpi eq, %eq3A_103, %iota3A : vector<32x128xi32>
    %convert_element_type3A_105 = arith.extui %eq3A_104 : vector<32x128xi1> to vector<32x128xi32>
    %convert_element_type3A_106 = arith.sitofp %convert_element_type3A_105 : vector<32x128xi32> to vector<32x128xf32>
    %eq3A_107 = vector.broadcast %get3A_99 : vector<1x128xi32> to vector<32x128xi32>
    %eq3A_108 = arith.cmpi eq, %eq3A_107, %iota3A : vector<32x128xi32>
    %convert_element_type3A_109 = arith.extui %eq3A_108 : vector<32x128xi1> to vector<32x128xi32>
    %convert_element_type3A_110 = arith.sitofp %convert_element_type3A_109 : vector<32x128xi32> to vector<32x128xf32>
    %eq3A_111 = vector.broadcast %get3A_102 : vector<1x128xi32> to vector<4x128xi32>
    %eq3A_112 = arith.cmpi eq, %eq3A_111, %iota3A_90 : vector<4x128xi32>
    %convert_element_type3A_113 = arith.extui %eq3A_112 : vector<4x128xi1> to vector<4x128xi32>
    %convert_element_type3A_114 = arith.sitofp %convert_element_type3A_113 : vector<4x128xi32> to vector<4x128xf32>
    %dot_general3A_115 = arith.constant dense<0.000000e+00> : vector<32x4xf32>
    %dot_general3A_116 = tpu.matmul %convert_element_type3A_110, %convert_element_type3A_114, %dot_general3A_115 {dimension_numbers = #tpu.dot_dimension_numbers<[1], [1], [0], [0], [0, 0, 1, 0], [], []>, transpose_lhs_hint = false} : vector<32x128xf32>, vector<4x128xf32>, vector<32x4xf32> -> vector<32x4xf32>
    %add3A = arith.constant 1.000000e+00 : f32
    %add3A_117 = vector.broadcast %add3A : f32 to vector<32x4xf32>
    %add3A_118 = arith.addf %dot_general3A_116, %add3A_117 : vector<32x4xf32>
    %rsqrt3A = math.rsqrt %add3A_118 : vector<32x4xf32>
    %div3A = arith.constant 1.000000e+00 : f32
    %div3A_119 = vector.broadcast %div3A : f32 to vector<32x4xf32>
    %div3A_120 = arith.divf %div3A_119, %add3A_118 : vector<32x4xf32>
    %dot_general3A_121 = arith.constant dense<0.000000e+00> : vector<4x128xf32>
    %dot_general3A_122 = tpu.matmul %rsqrt3A, %convert_element_type3A_106, %dot_general3A_121 {dimension_numbers = #tpu.dot_dimension_numbers<[0], [0], [1], [1], [0, 1, 1, 1], [], []>, transpose_lhs_hint = false} : vector<32x4xf32>, vector<32x128xf32>, vector<4x128xf32> -> vector<4x128xf32>
    %dot_general3A_123 = arith.constant dense<0.000000e+00> : vector<4x128xf32>
    %dot_general3A_124 = tpu.matmul %rsqrt3A, %convert_element_type3A_110, %dot_general3A_123 {dimension_numbers = #tpu.dot_dimension_numbers<[0], [0], [1], [1], [0, 1, 1, 1], [], []>, transpose_lhs_hint = false} : vector<32x4xf32>, vector<32x128xf32>, vector<4x128xf32> -> vector<4x128xf32>
    %mul3A = arith.mulf %convert_element_type3A_114, %dot_general3A_122 : vector<4x128xf32>
    %mul3A_125 = arith.mulf %mul3A, %dot_general3A_124 : vector<4x128xf32>
    %slice3A = vector.extract_strided_slice %mul3A_125 {offsets = [0, 0], sizes = [1, 128], strides = [1, 1]} : vector<4x128xf32> to vector<1x128xf32>
    %mul3A_126 = vector.broadcast %slice3A : vector<1x128xf32> to vector<32x128xf32>
    %mul3A_127 = arith.mulf %mul3A_126, %convert_element_type3A_106 : vector<32x128xf32>
    %slice3A_128 = vector.extract_strided_slice %mul3A_125 {offsets = [1, 0], sizes = [1, 128], strides = [1, 1]} : vector<4x128xf32> to vector<1x128xf32>
    %mul3A_129 = vector.broadcast %slice3A_128 : vector<1x128xf32> to vector<32x128xf32>
    %mul3A_130 = arith.mulf %mul3A_129, %convert_element_type3A_106 : vector<32x128xf32>
    %slice3A_131 = vector.extract_strided_slice %mul3A_125 {offsets = [2, 0], sizes = [1, 128], strides = [1, 1]} : vector<4x128xf32> to vector<1x128xf32>
    %mul3A_132 = vector.broadcast %slice3A_131 : vector<1x128xf32> to vector<32x128xf32>
    %mul3A_133 = arith.mulf %mul3A_132, %convert_element_type3A_106 : vector<32x128xf32>
    %slice3A_134 = vector.extract_strided_slice %mul3A_125 {offsets = [3, 0], sizes = [1, 128], strides = [1, 1]} : vector<4x128xf32> to vector<1x128xf32>
    %mul3A_135 = vector.broadcast %slice3A_134 : vector<1x128xf32> to vector<32x128xf32>
    %mul3A_136 = arith.mulf %mul3A_135, %convert_element_type3A_106 : vector<32x128xf32>
    %concatenate3A = tpu.concatenate %mul3A_127, %mul3A_130, %mul3A_133, %mul3A_136 in 0 : vector<32x128xf32>, vector<32x128xf32>, vector<32x128xf32>, vector<32x128xf32> -> vector<128x128xf32>
    %dot_general3A_137 = arith.constant dense<0.000000e+00> : vector<32x128xf32>
    %dot_general3A_138 = tpu.matmul %convert_element_type3A_110, %concatenate3A, %dot_general3A_137 {dimension_numbers = #tpu.dot_dimension_numbers<[1], [1], [0], [0], [0, 0, 1, 0], [], []>, transpose_lhs_hint = false} : vector<32x128xf32>, vector<128x128xf32>, vector<32x128xf32> -> vector<32x128xf32>
    %slice3A_139 = vector.extract_strided_slice %div3A_120 {offsets = [0, 0], sizes = [32, 1], strides = [1, 1]} : vector<32x4xf32> to vector<32x1xf32>
    %mul3A_140 = vector.broadcast %slice3A_139 : vector<32x1xf32> to vector<32x32xf32>
    %mul3A_141 = arith.mulf %mul3A_140, %convert_element_type3A_93 : vector<32x32xf32>
    %slice3A_142 = vector.extract_strided_slice %div3A_120 {offsets = [0, 1], sizes = [32, 1], strides = [1, 1]} : vector<32x4xf32> to vector<32x1xf32>
    %mul3A_143 = vector.broadcast %slice3A_142 : vector<32x1xf32> to vector<32x32xf32>
    %mul3A_144 = arith.mulf %mul3A_143, %convert_element_type3A_93 : vector<32x32xf32>
    %slice3A_145 = vector.extract_strided_slice %div3A_120 {offsets = [0, 2], sizes = [32, 1], strides = [1, 1]} : vector<32x4xf32> to vector<32x1xf32>
    %mul3A_146 = vector.broadcast %slice3A_145 : vector<32x1xf32> to vector<32x32xf32>
    %mul3A_147 = arith.mulf %mul3A_146, %convert_element_type3A_93 : vector<32x32xf32>
    %slice3A_148 = vector.extract_strided_slice %div3A_120 {offsets = [0, 3], sizes = [32, 1], strides = [1, 1]} : vector<32x4xf32> to vector<32x1xf32>
    %mul3A_149 = vector.broadcast %slice3A_148 : vector<32x1xf32> to vector<32x32xf32>
    %mul3A_150 = arith.mulf %mul3A_149, %convert_element_type3A_93 : vector<32x32xf32>
    %concatenate3A_151 = tpu.concatenate %mul3A_141, %mul3A_144, %mul3A_147, %mul3A_150 in 1 : vector<32x32xf32>, vector<32x32xf32>, vector<32x32xf32>, vector<32x32xf32> -> vector<32x128xf32>
    %add3A_152 = arith.addf %dot_general3A_138, %concatenate3A_151 : vector<32x128xf32>
    %slice3A_153 = vector.extract_strided_slice %dot_general3A_68 {offsets = [0, 0], sizes = [32, 128], strides = [1, 1]} : vector<256x128xf32> to vector<32x128xf32>
    %slice3A_154 = vector.extract_strided_slice %dot_general3A_75 {offsets = [0, 0], sizes = [32, 128], strides = [1, 1]} : vector<256x128xf32> to vector<32x128xf32>
    %slice3A_155 = vector.extract_strided_slice %dot_general3A_82 {offsets = [0, 0], sizes = [32, 128], strides = [1, 1]} : vector<256x128xf32> to vector<32x128xf32>
    %slice3A_156 = vector.extract_strided_slice %dot_general3A_89 {offsets = [0, 0], sizes = [32, 128], strides = [1, 1]} : vector<256x128xf32> to vector<32x128xf32>
    %concatenate3A_157 = tpu.concatenate %slice3A_153, %slice3A_154, %slice3A_155, %slice3A_156 in 0 : vector<32x128xf32>, vector<32x128xf32>, vector<32x128xf32>, vector<32x128xf32> -> vector<128x128xf32>
    %dot_general3A_158 = arith.constant dense<0.000000e+00> : vector<32x128xf32>
    %dot_general3A_159 = tpu.matmul %add3A_152, %concatenate3A_157, %dot_general3A_158 {dimension_numbers = #tpu.dot_dimension_numbers<[1], [0], [0], [1], [0, 0, 1, 1], [], []>, transpose_lhs_hint = false} : vector<32x128xf32>, vector<128x128xf32>, vector<32x128xf32> -> vector<32x128xf32>
    %slice3A_160 = vector.extract_strided_slice %dot_general3A_61 {offsets = [0, 0], sizes = [32, 128], strides = [1, 1]} : vector<256x128xf32> to vector<32x128xf32>
    %add3A_161 = arith.addf %dot_general3A_159, %slice3A_160 : vector<32x128xf32>
    %get3A_162 = arith.constant 1 : index
    %get3A_163 = arith.constant 0 : index
    %get3A_164 = vector.load %arg0[%get3A_162, %get3A_163] : memref<8x128xi32, #tpu.memory_space<vmem>>, vector<1x128xi32>
    %get3A_165 = arith.constant 1 : index
    %get3A_166 = arith.constant 0 : index
    %get3A_167 = vector.load %arg1[%get3A_165, %get3A_166] : memref<8x128xi32, #tpu.memory_space<vmem>>, vector<1x128xi32>
    %get3A_168 = arith.constant 1 : index
    %get3A_169 = arith.constant 0 : index
    %get3A_170 = vector.load %arg2[%get3A_168, %get3A_169] : memref<8x128xi32, #tpu.memory_space<vmem>>, vector<1x128xi32>
    %eq3A_171 = vector.broadcast %get3A_164 : vector<1x128xi32> to vector<32x128xi32>
    %eq3A_172 = arith.cmpi eq, %eq3A_171, %iota3A : vector<32x128xi32>
    %convert_element_type3A_173 = arith.extui %eq3A_172 : vector<32x128xi1> to vector<32x128xi32>
    %convert_element_type3A_174 = arith.sitofp %convert_element_type3A_173 : vector<32x128xi32> to vector<32x128xf32>
    %eq3A_175 = vector.broadcast %get3A_167 : vector<1x128xi32> to vector<32x128xi32>
    %eq3A_176 = arith.cmpi eq, %eq3A_175, %iota3A : vector<32x128xi32>
    %convert_element_type3A_177 = arith.extui %eq3A_176 : vector<32x128xi1> to vector<32x128xi32>
    %convert_element_type3A_178 = arith.sitofp %convert_element_type3A_177 : vector<32x128xi32> to vector<32x128xf32>
    %eq3A_179 = vector.broadcast %get3A_170 : vector<1x128xi32> to vector<4x128xi32>
    %eq3A_180 = arith.cmpi eq, %eq3A_179, %iota3A_90 : vector<4x128xi32>
    %convert_element_type3A_181 = arith.extui %eq3A_180 : vector<4x128xi1> to vector<4x128xi32>
    %convert_element_type3A_182 = arith.sitofp %convert_element_type3A_181 : vector<4x128xi32> to vector<4x128xf32>
    %dot_general3A_183 = arith.constant dense<0.000000e+00> : vector<32x4xf32>
    %dot_general3A_184 = tpu.matmul %convert_element_type3A_178, %convert_element_type3A_182, %dot_general3A_183 {dimension_numbers = #tpu.dot_dimension_numbers<[1], [1], [0], [0], [0, 0, 1, 0], [], []>, transpose_lhs_hint = false} : vector<32x128xf32>, vector<4x128xf32>, vector<32x4xf32> -> vector<32x4xf32>
    %add3A_185 = arith.constant 1.000000e+00 : f32
    %add3A_186 = vector.broadcast %add3A_185 : f32 to vector<32x4xf32>
    %add3A_187 = arith.addf %dot_general3A_184, %add3A_186 : vector<32x4xf32>
    %rsqrt3A_188 = math.rsqrt %add3A_187 : vector<32x4xf32>
    %div3A_189 = arith.constant 1.000000e+00 : f32
    %div3A_190 = vector.broadcast %div3A_189 : f32 to vector<32x4xf32>
    %div3A_191 = arith.divf %div3A_190, %add3A_187 : vector<32x4xf32>
    %dot_general3A_192 = arith.constant dense<0.000000e+00> : vector<4x128xf32>
    %dot_general3A_193 = tpu.matmul %rsqrt3A_188, %convert_element_type3A_174, %dot_general3A_192 {dimension_numbers = #tpu.dot_dimension_numbers<[0], [0], [1], [1], [0, 1, 1, 1], [], []>, transpose_lhs_hint = false} : vector<32x4xf32>, vector<32x128xf32>, vector<4x128xf32> -> vector<4x128xf32>
    %dot_general3A_194 = arith.constant dense<0.000000e+00> : vector<4x128xf32>
    %dot_general3A_195 = tpu.matmul %rsqrt3A_188, %convert_element_type3A_178, %dot_general3A_194 {dimension_numbers = #tpu.dot_dimension_numbers<[0], [0], [1], [1], [0, 1, 1, 1], [], []>, transpose_lhs_hint = false} : vector<32x4xf32>, vector<32x128xf32>, vector<4x128xf32> -> vector<4x128xf32>
    %mul3A_196 = arith.mulf %convert_element_type3A_182, %dot_general3A_193 : vector<4x128xf32>
    %mul3A_197 = arith.mulf %mul3A_196, %dot_general3A_195 : vector<4x128xf32>
    %slice3A_198 = vector.extract_strided_slice %mul3A_197 {offsets = [0, 0], sizes = [1, 128], strides = [1, 1]} : vector<4x128xf32> to vector<1x128xf32>
    %mul3A_199 = vector.broadcast %slice3A_198 : vector<1x128xf32> to vector<32x128xf32>
    %mul3A_200 = arith.mulf %mul3A_199, %convert_element_type3A_174 : vector<32x128xf32>
    %slice3A_201 = vector.extract_strided_slice %mul3A_197 {offsets = [1, 0], sizes = [1, 128], strides = [1, 1]} : vector<4x128xf32> to vector<1x128xf32>
    %mul3A_202 = vector.broadcast %slice3A_201 : vector<1x128xf32> to vector<32x128xf32>
    %mul3A_203 = arith.mulf %mul3A_202, %convert_element_type3A_174 : vector<32x128xf32>
    %slice3A_204 = vector.extract_strided_slice %mul3A_197 {offsets = [2, 0], sizes = [1, 128], strides = [1, 1]} : vector<4x128xf32> to vector<1x128xf32>
    %mul3A_205 = vector.broadcast %slice3A_204 : vector<1x128xf32> to vector<32x128xf32>
    %mul3A_206 = arith.mulf %mul3A_205, %convert_element_type3A_174 : vector<32x128xf32>
    %slice3A_207 = vector.extract_strided_slice %mul3A_197 {offsets = [3, 0], sizes = [1, 128], strides = [1, 1]} : vector<4x128xf32> to vector<1x128xf32>
    %mul3A_208 = vector.broadcast %slice3A_207 : vector<1x128xf32> to vector<32x128xf32>
    %mul3A_209 = arith.mulf %mul3A_208, %convert_element_type3A_174 : vector<32x128xf32>
    %concatenate3A_210 = tpu.concatenate %mul3A_200, %mul3A_203, %mul3A_206, %mul3A_209 in 0 : vector<32x128xf32>, vector<32x128xf32>, vector<32x128xf32>, vector<32x128xf32> -> vector<128x128xf32>
    %dot_general3A_211 = arith.constant dense<0.000000e+00> : vector<32x128xf32>
    %dot_general3A_212 = tpu.matmul %convert_element_type3A_178, %concatenate3A_210, %dot_general3A_211 {dimension_numbers = #tpu.dot_dimension_numbers<[1], [1], [0], [0], [0, 0, 1, 0], [], []>, transpose_lhs_hint = false} : vector<32x128xf32>, vector<128x128xf32>, vector<32x128xf32> -> vector<32x128xf32>
    %slice3A_213 = vector.extract_strided_slice %div3A_191 {offsets = [0, 0], sizes = [32, 1], strides = [1, 1]} : vector<32x4xf32> to vector<32x1xf32>
    %mul3A_214 = vector.broadcast %slice3A_213 : vector<32x1xf32> to vector<32x32xf32>
    %mul3A_215 = arith.mulf %mul3A_214, %convert_element_type3A_93 : vector<32x32xf32>
    %slice3A_216 = vector.extract_strided_slice %div3A_191 {offsets = [0, 1], sizes = [32, 1], strides = [1, 1]} : vector<32x4xf32> to vector<32x1xf32>
    %mul3A_217 = vector.broadcast %slice3A_216 : vector<32x1xf32> to vector<32x32xf32>
    %mul3A_218 = arith.mulf %mul3A_217, %convert_element_type3A_93 : vector<32x32xf32>
    %slice3A_219 = vector.extract_strided_slice %div3A_191 {offsets = [0, 2], sizes = [32, 1], strides = [1, 1]} : vector<32x4xf32> to vector<32x1xf32>
    %mul3A_220 = vector.broadcast %slice3A_219 : vector<32x1xf32> to vector<32x32xf32>
    %mul3A_221 = arith.mulf %mul3A_220, %convert_element_type3A_93 : vector<32x32xf32>
    %slice3A_222 = vector.extract_strided_slice %div3A_191 {offsets = [0, 3], sizes = [32, 1], strides = [1, 1]} : vector<32x4xf32> to vector<32x1xf32>
    %mul3A_223 = vector.broadcast %slice3A_222 : vector<32x1xf32> to vector<32x32xf32>
    %mul3A_224 = arith.mulf %mul3A_223, %convert_element_type3A_93 : vector<32x32xf32>
    %concatenate3A_225 = tpu.concatenate %mul3A_215, %mul3A_218, %mul3A_221, %mul3A_224 in 1 : vector<32x32xf32>, vector<32x32xf32>, vector<32x32xf32>, vector<32x32xf32> -> vector<32x128xf32>
    %add3A_226 = arith.addf %dot_general3A_212, %concatenate3A_225 : vector<32x128xf32>
    %slice3A_227 = vector.extract_strided_slice %dot_general3A_68 {offsets = [32, 0], sizes = [32, 128], strides = [1, 1]} : vector<256x128xf32> to vector<32x128xf32>
    %slice3A_228 = vector.extract_strided_slice %dot_general3A_75 {offsets = [32, 0], sizes = [32, 128], strides = [1, 1]} : vector<256x128xf32> to vector<32x128xf32>
    %slice3A_229 = vector.extract_strided_slice %dot_general3A_82 {offsets = [32, 0], sizes = [32, 128], strides = [1, 1]} : vector<256x128xf32> to vector<32x128xf32>
    %slice3A_230 = vector.extract_strided_slice %dot_general3A_89 {offsets = [32, 0], sizes = [32, 128], strides = [1, 1]} : vector<256x128xf32> to vector<32x128xf32>
    %concatenate3A_231 = tpu.concatenate %slice3A_227, %slice3A_228, %slice3A_229, %slice3A_230 in 0 : vector<32x128xf32>, vector<32x128xf32>, vector<32x128xf32>, vector<32x128xf32> -> vector<128x128xf32>
    %dot_general3A_232 = arith.constant dense<0.000000e+00> : vector<32x128xf32>
    %dot_general3A_233 = tpu.matmul %add3A_226, %concatenate3A_231, %dot_general3A_232 {dimension_numbers = #tpu.dot_dimension_numbers<[1], [0], [0], [1], [0, 0, 1, 1], [], []>, transpose_lhs_hint = false} : vector<32x128xf32>, vector<128x128xf32>, vector<32x128xf32> -> vector<32x128xf32>
    %slice3A_234 = vector.extract_strided_slice %dot_general3A_61 {offsets = [32, 0], sizes = [32, 128], strides = [1, 1]} : vector<256x128xf32> to vector<32x128xf32>
    %add3A_235 = arith.addf %dot_general3A_233, %slice3A_234 : vector<32x128xf32>
    %get3A_236 = arith.constant 2 : index
    %get3A_237 = arith.constant 0 : index
    %get3A_238 = vector.load %arg0[%get3A_236, %get3A_237] : memref<8x128xi32, #tpu.memory_space<vmem>>, vector<1x128xi32>
    %get3A_239 = arith.constant 2 : index
    %get3A_240 = arith.constant 0 : index
    %get3A_241 = vector.load %arg1[%get3A_239, %get3A_240] : memref<8x128xi32, #tpu.memory_space<vmem>>, vector<1x128xi32>
    %get3A_242 = arith.constant 2 : index
    %get3A_243 = arith.constant 0 : index
    %get3A_244 = vector.load %arg2[%get3A_242, %get3A_243] : memref<8x128xi32, #tpu.memory_space<vmem>>, vector<1x128xi32>
    %eq3A_245 = vector.broadcast %get3A_238 : vector<1x128xi32> to vector<32x128xi32>
    %eq3A_246 = arith.cmpi eq, %eq3A_245, %iota3A : vector<32x128xi32>
    %convert_element_type3A_247 = arith.extui %eq3A_246 : vector<32x128xi1> to vector<32x128xi32>
    %convert_element_type3A_248 = arith.sitofp %convert_element_type3A_247 : vector<32x128xi32> to vector<32x128xf32>
    %eq3A_249 = vector.broadcast %get3A_241 : vector<1x128xi32> to vector<32x128xi32>
    %eq3A_250 = arith.cmpi eq, %eq3A_249, %iota3A : vector<32x128xi32>
    %convert_element_type3A_251 = arith.extui %eq3A_250 : vector<32x128xi1> to vector<32x128xi32>
    %convert_element_type3A_252 = arith.sitofp %convert_element_type3A_251 : vector<32x128xi32> to vector<32x128xf32>
    %eq3A_253 = vector.broadcast %get3A_244 : vector<1x128xi32> to vector<4x128xi32>
    %eq3A_254 = arith.cmpi eq, %eq3A_253, %iota3A_90 : vector<4x128xi32>
    %convert_element_type3A_255 = arith.extui %eq3A_254 : vector<4x128xi1> to vector<4x128xi32>
    %convert_element_type3A_256 = arith.sitofp %convert_element_type3A_255 : vector<4x128xi32> to vector<4x128xf32>
    %dot_general3A_257 = arith.constant dense<0.000000e+00> : vector<32x4xf32>
    %dot_general3A_258 = tpu.matmul %convert_element_type3A_252, %convert_element_type3A_256, %dot_general3A_257 {dimension_numbers = #tpu.dot_dimension_numbers<[1], [1], [0], [0], [0, 0, 1, 0], [], []>, transpose_lhs_hint = false} : vector<32x128xf32>, vector<4x128xf32>, vector<32x4xf32> -> vector<32x4xf32>
    %add3A_259 = arith.constant 1.000000e+00 : f32
    %add3A_260 = vector.broadcast %add3A_259 : f32 to vector<32x4xf32>
    %add3A_261 = arith.addf %dot_general3A_258, %add3A_260 : vector<32x4xf32>
    %rsqrt3A_262 = math.rsqrt %add3A_261 : vector<32x4xf32>
    %div3A_263 = arith.constant 1.000000e+00 : f32
    %div3A_264 = vector.broadcast %div3A_263 : f32 to vector<32x4xf32>
    %div3A_265 = arith.divf %div3A_264, %add3A_261 : vector<32x4xf32>
    %dot_general3A_266 = arith.constant dense<0.000000e+00> : vector<4x128xf32>
    %dot_general3A_267 = tpu.matmul %rsqrt3A_262, %convert_element_type3A_248, %dot_general3A_266 {dimension_numbers = #tpu.dot_dimension_numbers<[0], [0], [1], [1], [0, 1, 1, 1], [], []>, transpose_lhs_hint = false} : vector<32x4xf32>, vector<32x128xf32>, vector<4x128xf32> -> vector<4x128xf32>
    %dot_general3A_268 = arith.constant dense<0.000000e+00> : vector<4x128xf32>
    %dot_general3A_269 = tpu.matmul %rsqrt3A_262, %convert_element_type3A_252, %dot_general3A_268 {dimension_numbers = #tpu.dot_dimension_numbers<[0], [0], [1], [1], [0, 1, 1, 1], [], []>, transpose_lhs_hint = false} : vector<32x4xf32>, vector<32x128xf32>, vector<4x128xf32> -> vector<4x128xf32>
    %mul3A_270 = arith.mulf %convert_element_type3A_256, %dot_general3A_267 : vector<4x128xf32>
    %mul3A_271 = arith.mulf %mul3A_270, %dot_general3A_269 : vector<4x128xf32>
    %slice3A_272 = vector.extract_strided_slice %mul3A_271 {offsets = [0, 0], sizes = [1, 128], strides = [1, 1]} : vector<4x128xf32> to vector<1x128xf32>
    %mul3A_273 = vector.broadcast %slice3A_272 : vector<1x128xf32> to vector<32x128xf32>
    %mul3A_274 = arith.mulf %mul3A_273, %convert_element_type3A_248 : vector<32x128xf32>
    %slice3A_275 = vector.extract_strided_slice %mul3A_271 {offsets = [1, 0], sizes = [1, 128], strides = [1, 1]} : vector<4x128xf32> to vector<1x128xf32>
    %mul3A_276 = vector.broadcast %slice3A_275 : vector<1x128xf32> to vector<32x128xf32>
    %mul3A_277 = arith.mulf %mul3A_276, %convert_element_type3A_248 : vector<32x128xf32>
    %slice3A_278 = vector.extract_strided_slice %mul3A_271 {offsets = [2, 0], sizes = [1, 128], strides = [1, 1]} : vector<4x128xf32> to vector<1x128xf32>
    %mul3A_279 = vector.broadcast %slice3A_278 : vector<1x128xf32> to vector<32x128xf32>
    %mul3A_280 = arith.mulf %mul3A_279, %convert_element_type3A_248 : vector<32x128xf32>
    %slice3A_281 = vector.extract_strided_slice %mul3A_271 {offsets = [3, 0], sizes = [1, 128], strides = [1, 1]} : vector<4x128xf32> to vector<1x128xf32>
    %mul3A_282 = vector.broadcast %slice3A_281 : vector<1x128xf32> to vector<32x128xf32>
    %mul3A_283 = arith.mulf %mul3A_282, %convert_element_type3A_248 : vector<32x128xf32>
    %concatenate3A_284 = tpu.concatenate %mul3A_274, %mul3A_277, %mul3A_280, %mul3A_283 in 0 : vector<32x128xf32>, vector<32x128xf32>, vector<32x128xf32>, vector<32x128xf32> -> vector<128x128xf32>
    %dot_general3A_285 = arith.constant dense<0.000000e+00> : vector<32x128xf32>
    %dot_general3A_286 = tpu.matmul %convert_element_type3A_252, %concatenate3A_284, %dot_general3A_285 {dimension_numbers = #tpu.dot_dimension_numbers<[1], [1], [0], [0], [0, 0, 1, 0], [], []>, transpose_lhs_hint = false} : vector<32x128xf32>, vector<128x128xf32>, vector<32x128xf32> -> vector<32x128xf32>
    %slice3A_287 = vector.extract_strided_slice %div3A_265 {offsets = [0, 0], sizes = [32, 1], strides = [1, 1]} : vector<32x4xf32> to vector<32x1xf32>
    %mul3A_288 = vector.broadcast %slice3A_287 : vector<32x1xf32> to vector<32x32xf32>
    %mul3A_289 = arith.mulf %mul3A_288, %convert_element_type3A_93 : vector<32x32xf32>
    %slice3A_290 = vector.extract_strided_slice %div3A_265 {offsets = [0, 1], sizes = [32, 1], strides = [1, 1]} : vector<32x4xf32> to vector<32x1xf32>
    %mul3A_291 = vector.broadcast %slice3A_290 : vector<32x1xf32> to vector<32x32xf32>
    %mul3A_292 = arith.mulf %mul3A_291, %convert_element_type3A_93 : vector<32x32xf32>
    %slice3A_293 = vector.extract_strided_slice %div3A_265 {offsets = [0, 2], sizes = [32, 1], strides = [1, 1]} : vector<32x4xf32> to vector<32x1xf32>
    %mul3A_294 = vector.broadcast %slice3A_293 : vector<32x1xf32> to vector<32x32xf32>
    %mul3A_295 = arith.mulf %mul3A_294, %convert_element_type3A_93 : vector<32x32xf32>
    %slice3A_296 = vector.extract_strided_slice %div3A_265 {offsets = [0, 3], sizes = [32, 1], strides = [1, 1]} : vector<32x4xf32> to vector<32x1xf32>
    %mul3A_297 = vector.broadcast %slice3A_296 : vector<32x1xf32> to vector<32x32xf32>
    %mul3A_298 = arith.mulf %mul3A_297, %convert_element_type3A_93 : vector<32x32xf32>
    %concatenate3A_299 = tpu.concatenate %mul3A_289, %mul3A_292, %mul3A_295, %mul3A_298 in 1 : vector<32x32xf32>, vector<32x32xf32>, vector<32x32xf32>, vector<32x32xf32> -> vector<32x128xf32>
    %add3A_300 = arith.addf %dot_general3A_286, %concatenate3A_299 : vector<32x128xf32>
    %slice3A_301 = vector.extract_strided_slice %dot_general3A_68 {offsets = [64, 0], sizes = [32, 128], strides = [1, 1]} : vector<256x128xf32> to vector<32x128xf32>
    %slice3A_302 = vector.extract_strided_slice %dot_general3A_75 {offsets = [64, 0], sizes = [32, 128], strides = [1, 1]} : vector<256x128xf32> to vector<32x128xf32>
    %slice3A_303 = vector.extract_strided_slice %dot_general3A_82 {offsets = [64, 0], sizes = [32, 128], strides = [1, 1]} : vector<256x128xf32> to vector<32x128xf32>
    %slice3A_304 = vector.extract_strided_slice %dot_general3A_89 {offsets = [64, 0], sizes = [32, 128], strides = [1, 1]} : vector<256x128xf32> to vector<32x128xf32>
    %concatenate3A_305 = tpu.concatenate %slice3A_301, %slice3A_302, %slice3A_303, %slice3A_304 in 0 : vector<32x128xf32>, vector<32x128xf32>, vector<32x128xf32>, vector<32x128xf32> -> vector<128x128xf32>
    %dot_general3A_306 = arith.constant dense<0.000000e+00> : vector<32x128xf32>
    %dot_general3A_307 = tpu.matmul %add3A_300, %concatenate3A_305, %dot_general3A_306 {dimension_numbers = #tpu.dot_dimension_numbers<[1], [0], [0], [1], [0, 0, 1, 1], [], []>, transpose_lhs_hint = false} : vector<32x128xf32>, vector<128x128xf32>, vector<32x128xf32> -> vector<32x128xf32>
    %slice3A_308 = vector.extract_strided_slice %dot_general3A_61 {offsets = [64, 0], sizes = [32, 128], strides = [1, 1]} : vector<256x128xf32> to vector<32x128xf32>
    %add3A_309 = arith.addf %dot_general3A_307, %slice3A_308 : vector<32x128xf32>
    %get3A_310 = arith.constant 3 : index
    %get3A_311 = arith.constant 0 : index
    %get3A_312 = vector.load %arg0[%get3A_310, %get3A_311] : memref<8x128xi32, #tpu.memory_space<vmem>>, vector<1x128xi32>
    %get3A_313 = arith.constant 3 : index
    %get3A_314 = arith.constant 0 : index
    %get3A_315 = vector.load %arg1[%get3A_313, %get3A_314] : memref<8x128xi32, #tpu.memory_space<vmem>>, vector<1x128xi32>
    %get3A_316 = arith.constant 3 : index
    %get3A_317 = arith.constant 0 : index
    %get3A_318 = vector.load %arg2[%get3A_316, %get3A_317] : memref<8x128xi32, #tpu.memory_space<vmem>>, vector<1x128xi32>
    %eq3A_319 = vector.broadcast %get3A_312 : vector<1x128xi32> to vector<32x128xi32>
    %eq3A_320 = arith.cmpi eq, %eq3A_319, %iota3A : vector<32x128xi32>
    %convert_element_type3A_321 = arith.extui %eq3A_320 : vector<32x128xi1> to vector<32x128xi32>
    %convert_element_type3A_322 = arith.sitofp %convert_element_type3A_321 : vector<32x128xi32> to vector<32x128xf32>
    %eq3A_323 = vector.broadcast %get3A_315 : vector<1x128xi32> to vector<32x128xi32>
    %eq3A_324 = arith.cmpi eq, %eq3A_323, %iota3A : vector<32x128xi32>
    %convert_element_type3A_325 = arith.extui %eq3A_324 : vector<32x128xi1> to vector<32x128xi32>
    %convert_element_type3A_326 = arith.sitofp %convert_element_type3A_325 : vector<32x128xi32> to vector<32x128xf32>
    %eq3A_327 = vector.broadcast %get3A_318 : vector<1x128xi32> to vector<4x128xi32>
    %eq3A_328 = arith.cmpi eq, %eq3A_327, %iota3A_90 : vector<4x128xi32>
    %convert_element_type3A_329 = arith.extui %eq3A_328 : vector<4x128xi1> to vector<4x128xi32>
    %convert_element_type3A_330 = arith.sitofp %convert_element_type3A_329 : vector<4x128xi32> to vector<4x128xf32>
    %dot_general3A_331 = arith.constant dense<0.000000e+00> : vector<32x4xf32>
    %dot_general3A_332 = tpu.matmul %convert_element_type3A_326, %convert_element_type3A_330, %dot_general3A_331 {dimension_numbers = #tpu.dot_dimension_numbers<[1], [1], [0], [0], [0, 0, 1, 0], [], []>, transpose_lhs_hint = false} : vector<32x128xf32>, vector<4x128xf32>, vector<32x4xf32> -> vector<32x4xf32>
    %add3A_333 = arith.constant 1.000000e+00 : f32
    %add3A_334 = vector.broadcast %add3A_333 : f32 to vector<32x4xf32>
    %add3A_335 = arith.addf %dot_general3A_332, %add3A_334 : vector<32x4xf32>
    %rsqrt3A_336 = math.rsqrt %add3A_335 : vector<32x4xf32>
    %div3A_337 = arith.constant 1.000000e+00 : f32
    %div3A_338 = vector.broadcast %div3A_337 : f32 to vector<32x4xf32>
    %div3A_339 = arith.divf %div3A_338, %add3A_335 : vector<32x4xf32>
    %dot_general3A_340 = arith.constant dense<0.000000e+00> : vector<4x128xf32>
    %dot_general3A_341 = tpu.matmul %rsqrt3A_336, %convert_element_type3A_322, %dot_general3A_340 {dimension_numbers = #tpu.dot_dimension_numbers<[0], [0], [1], [1], [0, 1, 1, 1], [], []>, transpose_lhs_hint = false} : vector<32x4xf32>, vector<32x128xf32>, vector<4x128xf32> -> vector<4x128xf32>
    %dot_general3A_342 = arith.constant dense<0.000000e+00> : vector<4x128xf32>
    %dot_general3A_343 = tpu.matmul %rsqrt3A_336, %convert_element_type3A_326, %dot_general3A_342 {dimension_numbers = #tpu.dot_dimension_numbers<[0], [0], [1], [1], [0, 1, 1, 1], [], []>, transpose_lhs_hint = false} : vector<32x4xf32>, vector<32x128xf32>, vector<4x128xf32> -> vector<4x128xf32>
    %mul3A_344 = arith.mulf %convert_element_type3A_330, %dot_general3A_341 : vector<4x128xf32>
    %mul3A_345 = arith.mulf %mul3A_344, %dot_general3A_343 : vector<4x128xf32>
    %slice3A_346 = vector.extract_strided_slice %mul3A_345 {offsets = [0, 0], sizes = [1, 128], strides = [1, 1]} : vector<4x128xf32> to vector<1x128xf32>
    %mul3A_347 = vector.broadcast %slice3A_346 : vector<1x128xf32> to vector<32x128xf32>
    %mul3A_348 = arith.mulf %mul3A_347, %convert_element_type3A_322 : vector<32x128xf32>
    %slice3A_349 = vector.extract_strided_slice %mul3A_345 {offsets = [1, 0], sizes = [1, 128], strides = [1, 1]} : vector<4x128xf32> to vector<1x128xf32>
    %mul3A_350 = vector.broadcast %slice3A_349 : vector<1x128xf32> to vector<32x128xf32>
    %mul3A_351 = arith.mulf %mul3A_350, %convert_element_type3A_322 : vector<32x128xf32>
    %slice3A_352 = vector.extract_strided_slice %mul3A_345 {offsets = [2, 0], sizes = [1, 128], strides = [1, 1]} : vector<4x128xf32> to vector<1x128xf32>
    %mul3A_353 = vector.broadcast %slice3A_352 : vector<1x128xf32> to vector<32x128xf32>
    %mul3A_354 = arith.mulf %mul3A_353, %convert_element_type3A_322 : vector<32x128xf32>
    %slice3A_355 = vector.extract_strided_slice %mul3A_345 {offsets = [3, 0], sizes = [1, 128], strides = [1, 1]} : vector<4x128xf32> to vector<1x128xf32>
    %mul3A_356 = vector.broadcast %slice3A_355 : vector<1x128xf32> to vector<32x128xf32>
    %mul3A_357 = arith.mulf %mul3A_356, %convert_element_type3A_322 : vector<32x128xf32>
    %concatenate3A_358 = tpu.concatenate %mul3A_348, %mul3A_351, %mul3A_354, %mul3A_357 in 0 : vector<32x128xf32>, vector<32x128xf32>, vector<32x128xf32>, vector<32x128xf32> -> vector<128x128xf32>
    %dot_general3A_359 = arith.constant dense<0.000000e+00> : vector<32x128xf32>
    %dot_general3A_360 = tpu.matmul %convert_element_type3A_326, %concatenate3A_358, %dot_general3A_359 {dimension_numbers = #tpu.dot_dimension_numbers<[1], [1], [0], [0], [0, 0, 1, 0], [], []>, transpose_lhs_hint = false} : vector<32x128xf32>, vector<128x128xf32>, vector<32x128xf32> -> vector<32x128xf32>
    %slice3A_361 = vector.extract_strided_slice %div3A_339 {offsets = [0, 0], sizes = [32, 1], strides = [1, 1]} : vector<32x4xf32> to vector<32x1xf32>
    %mul3A_362 = vector.broadcast %slice3A_361 : vector<32x1xf32> to vector<32x32xf32>
    %mul3A_363 = arith.mulf %mul3A_362, %convert_element_type3A_93 : vector<32x32xf32>
    %slice3A_364 = vector.extract_strided_slice %div3A_339 {offsets = [0, 1], sizes = [32, 1], strides = [1, 1]} : vector<32x4xf32> to vector<32x1xf32>
    %mul3A_365 = vector.broadcast %slice3A_364 : vector<32x1xf32> to vector<32x32xf32>
    %mul3A_366 = arith.mulf %mul3A_365, %convert_element_type3A_93 : vector<32x32xf32>
    %slice3A_367 = vector.extract_strided_slice %div3A_339 {offsets = [0, 2], sizes = [32, 1], strides = [1, 1]} : vector<32x4xf32> to vector<32x1xf32>
    %mul3A_368 = vector.broadcast %slice3A_367 : vector<32x1xf32> to vector<32x32xf32>
    %mul3A_369 = arith.mulf %mul3A_368, %convert_element_type3A_93 : vector<32x32xf32>
    %slice3A_370 = vector.extract_strided_slice %div3A_339 {offsets = [0, 3], sizes = [32, 1], strides = [1, 1]} : vector<32x4xf32> to vector<32x1xf32>
    %mul3A_371 = vector.broadcast %slice3A_370 : vector<32x1xf32> to vector<32x32xf32>
    %mul3A_372 = arith.mulf %mul3A_371, %convert_element_type3A_93 : vector<32x32xf32>
    %concatenate3A_373 = tpu.concatenate %mul3A_363, %mul3A_366, %mul3A_369, %mul3A_372 in 1 : vector<32x32xf32>, vector<32x32xf32>, vector<32x32xf32>, vector<32x32xf32> -> vector<32x128xf32>
    %add3A_374 = arith.addf %dot_general3A_360, %concatenate3A_373 : vector<32x128xf32>
    %slice3A_375 = vector.extract_strided_slice %dot_general3A_68 {offsets = [96, 0], sizes = [32, 128], strides = [1, 1]} : vector<256x128xf32> to vector<32x128xf32>
    %slice3A_376 = vector.extract_strided_slice %dot_general3A_75 {offsets = [96, 0], sizes = [32, 128], strides = [1, 1]} : vector<256x128xf32> to vector<32x128xf32>
    %slice3A_377 = vector.extract_strided_slice %dot_general3A_82 {offsets = [96, 0], sizes = [32, 128], strides = [1, 1]} : vector<256x128xf32> to vector<32x128xf32>
    %slice3A_378 = vector.extract_strided_slice %dot_general3A_89 {offsets = [96, 0], sizes = [32, 128], strides = [1, 1]} : vector<256x128xf32> to vector<32x128xf32>
    %concatenate3A_379 = tpu.concatenate %slice3A_375, %slice3A_376, %slice3A_377, %slice3A_378 in 0 : vector<32x128xf32>, vector<32x128xf32>, vector<32x128xf32>, vector<32x128xf32> -> vector<128x128xf32>
    %dot_general3A_380 = arith.constant dense<0.000000e+00> : vector<32x128xf32>
    %dot_general3A_381 = tpu.matmul %add3A_374, %concatenate3A_379, %dot_general3A_380 {dimension_numbers = #tpu.dot_dimension_numbers<[1], [0], [0], [1], [0, 0, 1, 1], [], []>, transpose_lhs_hint = false} : vector<32x128xf32>, vector<128x128xf32>, vector<32x128xf32> -> vector<32x128xf32>
    %slice3A_382 = vector.extract_strided_slice %dot_general3A_61 {offsets = [96, 0], sizes = [32, 128], strides = [1, 1]} : vector<256x128xf32> to vector<32x128xf32>
    %add3A_383 = arith.addf %dot_general3A_381, %slice3A_382 : vector<32x128xf32>
    %get3A_384 = arith.constant 4 : index
    %get3A_385 = arith.constant 0 : index
    %get3A_386 = vector.load %arg0[%get3A_384, %get3A_385] : memref<8x128xi32, #tpu.memory_space<vmem>>, vector<1x128xi32>
    %get3A_387 = arith.constant 4 : index
    %get3A_388 = arith.constant 0 : index
    %get3A_389 = vector.load %arg1[%get3A_387, %get3A_388] : memref<8x128xi32, #tpu.memory_space<vmem>>, vector<1x128xi32>
    %get3A_390 = arith.constant 4 : index
    %get3A_391 = arith.constant 0 : index
    %get3A_392 = vector.load %arg2[%get3A_390, %get3A_391] : memref<8x128xi32, #tpu.memory_space<vmem>>, vector<1x128xi32>
    %eq3A_393 = vector.broadcast %get3A_386 : vector<1x128xi32> to vector<32x128xi32>
    %eq3A_394 = arith.cmpi eq, %eq3A_393, %iota3A : vector<32x128xi32>
    %convert_element_type3A_395 = arith.extui %eq3A_394 : vector<32x128xi1> to vector<32x128xi32>
    %convert_element_type3A_396 = arith.sitofp %convert_element_type3A_395 : vector<32x128xi32> to vector<32x128xf32>
    %eq3A_397 = vector.broadcast %get3A_389 : vector<1x128xi32> to vector<32x128xi32>
    %eq3A_398 = arith.cmpi eq, %eq3A_397, %iota3A : vector<32x128xi32>
    %convert_element_type3A_399 = arith.extui %eq3A_398 : vector<32x128xi1> to vector<32x128xi32>
    %convert_element_type3A_400 = arith.sitofp %convert_element_type3A_399 : vector<32x128xi32> to vector<32x128xf32>
    %eq3A_401 = vector.broadcast %get3A_392 : vector<1x128xi32> to vector<4x128xi32>
    %eq3A_402 = arith.cmpi eq, %eq3A_401, %iota3A_90 : vector<4x128xi32>
    %convert_element_type3A_403 = arith.extui %eq3A_402 : vector<4x128xi1> to vector<4x128xi32>
    %convert_element_type3A_404 = arith.sitofp %convert_element_type3A_403 : vector<4x128xi32> to vector<4x128xf32>
    %dot_general3A_405 = arith.constant dense<0.000000e+00> : vector<32x4xf32>
    %dot_general3A_406 = tpu.matmul %convert_element_type3A_400, %convert_element_type3A_404, %dot_general3A_405 {dimension_numbers = #tpu.dot_dimension_numbers<[1], [1], [0], [0], [0, 0, 1, 0], [], []>, transpose_lhs_hint = false} : vector<32x128xf32>, vector<4x128xf32>, vector<32x4xf32> -> vector<32x4xf32>
    %add3A_407 = arith.constant 1.000000e+00 : f32
    %add3A_408 = vector.broadcast %add3A_407 : f32 to vector<32x4xf32>
    %add3A_409 = arith.addf %dot_general3A_406, %add3A_408 : vector<32x4xf32>
    %rsqrt3A_410 = math.rsqrt %add3A_409 : vector<32x4xf32>
    %div3A_411 = arith.constant 1.000000e+00 : f32
    %div3A_412 = vector.broadcast %div3A_411 : f32 to vector<32x4xf32>
    %div3A_413 = arith.divf %div3A_412, %add3A_409 : vector<32x4xf32>
    %dot_general3A_414 = arith.constant dense<0.000000e+00> : vector<4x128xf32>
    %dot_general3A_415 = tpu.matmul %rsqrt3A_410, %convert_element_type3A_396, %dot_general3A_414 {dimension_numbers = #tpu.dot_dimension_numbers<[0], [0], [1], [1], [0, 1, 1, 1], [], []>, transpose_lhs_hint = false} : vector<32x4xf32>, vector<32x128xf32>, vector<4x128xf32> -> vector<4x128xf32>
    %dot_general3A_416 = arith.constant dense<0.000000e+00> : vector<4x128xf32>
    %dot_general3A_417 = tpu.matmul %rsqrt3A_410, %convert_element_type3A_400, %dot_general3A_416 {dimension_numbers = #tpu.dot_dimension_numbers<[0], [0], [1], [1], [0, 1, 1, 1], [], []>, transpose_lhs_hint = false} : vector<32x4xf32>, vector<32x128xf32>, vector<4x128xf32> -> vector<4x128xf32>
    %mul3A_418 = arith.mulf %convert_element_type3A_404, %dot_general3A_415 : vector<4x128xf32>
    %mul3A_419 = arith.mulf %mul3A_418, %dot_general3A_417 : vector<4x128xf32>
    %slice3A_420 = vector.extract_strided_slice %mul3A_419 {offsets = [0, 0], sizes = [1, 128], strides = [1, 1]} : vector<4x128xf32> to vector<1x128xf32>
    %mul3A_421 = vector.broadcast %slice3A_420 : vector<1x128xf32> to vector<32x128xf32>
    %mul3A_422 = arith.mulf %mul3A_421, %convert_element_type3A_396 : vector<32x128xf32>
    %slice3A_423 = vector.extract_strided_slice %mul3A_419 {offsets = [1, 0], sizes = [1, 128], strides = [1, 1]} : vector<4x128xf32> to vector<1x128xf32>
    %mul3A_424 = vector.broadcast %slice3A_423 : vector<1x128xf32> to vector<32x128xf32>
    %mul3A_425 = arith.mulf %mul3A_424, %convert_element_type3A_396 : vector<32x128xf32>
    %slice3A_426 = vector.extract_strided_slice %mul3A_419 {offsets = [2, 0], sizes = [1, 128], strides = [1, 1]} : vector<4x128xf32> to vector<1x128xf32>
    %mul3A_427 = vector.broadcast %slice3A_426 : vector<1x128xf32> to vector<32x128xf32>
    %mul3A_428 = arith.mulf %mul3A_427, %convert_element_type3A_396 : vector<32x128xf32>
    %slice3A_429 = vector.extract_strided_slice %mul3A_419 {offsets = [3, 0], sizes = [1, 128], strides = [1, 1]} : vector<4x128xf32> to vector<1x128xf32>
    %mul3A_430 = vector.broadcast %slice3A_429 : vector<1x128xf32> to vector<32x128xf32>
    %mul3A_431 = arith.mulf %mul3A_430, %convert_element_type3A_396 : vector<32x128xf32>
    %concatenate3A_432 = tpu.concatenate %mul3A_422, %mul3A_425, %mul3A_428, %mul3A_431 in 0 : vector<32x128xf32>, vector<32x128xf32>, vector<32x128xf32>, vector<32x128xf32> -> vector<128x128xf32>
    %dot_general3A_433 = arith.constant dense<0.000000e+00> : vector<32x128xf32>
    %dot_general3A_434 = tpu.matmul %convert_element_type3A_400, %concatenate3A_432, %dot_general3A_433 {dimension_numbers = #tpu.dot_dimension_numbers<[1], [1], [0], [0], [0, 0, 1, 0], [], []>, transpose_lhs_hint = false} : vector<32x128xf32>, vector<128x128xf32>, vector<32x128xf32> -> vector<32x128xf32>
    %slice3A_435 = vector.extract_strided_slice %div3A_413 {offsets = [0, 0], sizes = [32, 1], strides = [1, 1]} : vector<32x4xf32> to vector<32x1xf32>
    %mul3A_436 = vector.broadcast %slice3A_435 : vector<32x1xf32> to vector<32x32xf32>
    %mul3A_437 = arith.mulf %mul3A_436, %convert_element_type3A_93 : vector<32x32xf32>
    %slice3A_438 = vector.extract_strided_slice %div3A_413 {offsets = [0, 1], sizes = [32, 1], strides = [1, 1]} : vector<32x4xf32> to vector<32x1xf32>
    %mul3A_439 = vector.broadcast %slice3A_438 : vector<32x1xf32> to vector<32x32xf32>
    %mul3A_440 = arith.mulf %mul3A_439, %convert_element_type3A_93 : vector<32x32xf32>
    %slice3A_441 = vector.extract_strided_slice %div3A_413 {offsets = [0, 2], sizes = [32, 1], strides = [1, 1]} : vector<32x4xf32> to vector<32x1xf32>
    %mul3A_442 = vector.broadcast %slice3A_441 : vector<32x1xf32> to vector<32x32xf32>
    %mul3A_443 = arith.mulf %mul3A_442, %convert_element_type3A_93 : vector<32x32xf32>
    %slice3A_444 = vector.extract_strided_slice %div3A_413 {offsets = [0, 3], sizes = [32, 1], strides = [1, 1]} : vector<32x4xf32> to vector<32x1xf32>
    %mul3A_445 = vector.broadcast %slice3A_444 : vector<32x1xf32> to vector<32x32xf32>
    %mul3A_446 = arith.mulf %mul3A_445, %convert_element_type3A_93 : vector<32x32xf32>
    %concatenate3A_447 = tpu.concatenate %mul3A_437, %mul3A_440, %mul3A_443, %mul3A_446 in 1 : vector<32x32xf32>, vector<32x32xf32>, vector<32x32xf32>, vector<32x32xf32> -> vector<32x128xf32>
    %add3A_448 = arith.addf %dot_general3A_434, %concatenate3A_447 : vector<32x128xf32>
    %slice3A_449 = vector.extract_strided_slice %dot_general3A_68 {offsets = [128, 0], sizes = [32, 128], strides = [1, 1]} : vector<256x128xf32> to vector<32x128xf32>
    %slice3A_450 = vector.extract_strided_slice %dot_general3A_75 {offsets = [128, 0], sizes = [32, 128], strides = [1, 1]} : vector<256x128xf32> to vector<32x128xf32>
    %slice3A_451 = vector.extract_strided_slice %dot_general3A_82 {offsets = [128, 0], sizes = [32, 128], strides = [1, 1]} : vector<256x128xf32> to vector<32x128xf32>
    %slice3A_452 = vector.extract_strided_slice %dot_general3A_89 {offsets = [128, 0], sizes = [32, 128], strides = [1, 1]} : vector<256x128xf32> to vector<32x128xf32>
    %concatenate3A_453 = tpu.concatenate %slice3A_449, %slice3A_450, %slice3A_451, %slice3A_452 in 0 : vector<32x128xf32>, vector<32x128xf32>, vector<32x128xf32>, vector<32x128xf32> -> vector<128x128xf32>
    %dot_general3A_454 = arith.constant dense<0.000000e+00> : vector<32x128xf32>
    %dot_general3A_455 = tpu.matmul %add3A_448, %concatenate3A_453, %dot_general3A_454 {dimension_numbers = #tpu.dot_dimension_numbers<[1], [0], [0], [1], [0, 0, 1, 1], [], []>, transpose_lhs_hint = false} : vector<32x128xf32>, vector<128x128xf32>, vector<32x128xf32> -> vector<32x128xf32>
    %slice3A_456 = vector.extract_strided_slice %dot_general3A_61 {offsets = [128, 0], sizes = [32, 128], strides = [1, 1]} : vector<256x128xf32> to vector<32x128xf32>
    %add3A_457 = arith.addf %dot_general3A_455, %slice3A_456 : vector<32x128xf32>
    %get3A_458 = arith.constant 5 : index
    %get3A_459 = arith.constant 0 : index
    %get3A_460 = vector.load %arg0[%get3A_458, %get3A_459] : memref<8x128xi32, #tpu.memory_space<vmem>>, vector<1x128xi32>
    %get3A_461 = arith.constant 5 : index
    %get3A_462 = arith.constant 0 : index
    %get3A_463 = vector.load %arg1[%get3A_461, %get3A_462] : memref<8x128xi32, #tpu.memory_space<vmem>>, vector<1x128xi32>
    %get3A_464 = arith.constant 5 : index
    %get3A_465 = arith.constant 0 : index
    %get3A_466 = vector.load %arg2[%get3A_464, %get3A_465] : memref<8x128xi32, #tpu.memory_space<vmem>>, vector<1x128xi32>
    %eq3A_467 = vector.broadcast %get3A_460 : vector<1x128xi32> to vector<32x128xi32>
    %eq3A_468 = arith.cmpi eq, %eq3A_467, %iota3A : vector<32x128xi32>
    %convert_element_type3A_469 = arith.extui %eq3A_468 : vector<32x128xi1> to vector<32x128xi32>
    %convert_element_type3A_470 = arith.sitofp %convert_element_type3A_469 : vector<32x128xi32> to vector<32x128xf32>
    %eq3A_471 = vector.broadcast %get3A_463 : vector<1x128xi32> to vector<32x128xi32>
    %eq3A_472 = arith.cmpi eq, %eq3A_471, %iota3A : vector<32x128xi32>
    %convert_element_type3A_473 = arith.extui %eq3A_472 : vector<32x128xi1> to vector<32x128xi32>
    %convert_element_type3A_474 = arith.sitofp %convert_element_type3A_473 : vector<32x128xi32> to vector<32x128xf32>
    %eq3A_475 = vector.broadcast %get3A_466 : vector<1x128xi32> to vector<4x128xi32>
    %eq3A_476 = arith.cmpi eq, %eq3A_475, %iota3A_90 : vector<4x128xi32>
    %convert_element_type3A_477 = arith.extui %eq3A_476 : vector<4x128xi1> to vector<4x128xi32>
    %convert_element_type3A_478 = arith.sitofp %convert_element_type3A_477 : vector<4x128xi32> to vector<4x128xf32>
    %dot_general3A_479 = arith.constant dense<0.000000e+00> : vector<32x4xf32>
    %dot_general3A_480 = tpu.matmul %convert_element_type3A_474, %convert_element_type3A_478, %dot_general3A_479 {dimension_numbers = #tpu.dot_dimension_numbers<[1], [1], [0], [0], [0, 0, 1, 0], [], []>, transpose_lhs_hint = false} : vector<32x128xf32>, vector<4x128xf32>, vector<32x4xf32> -> vector<32x4xf32>
    %add3A_481 = arith.constant 1.000000e+00 : f32
    %add3A_482 = vector.broadcast %add3A_481 : f32 to vector<32x4xf32>
    %add3A_483 = arith.addf %dot_general3A_480, %add3A_482 : vector<32x4xf32>
    %rsqrt3A_484 = math.rsqrt %add3A_483 : vector<32x4xf32>
    %div3A_485 = arith.constant 1.000000e+00 : f32
    %div3A_486 = vector.broadcast %div3A_485 : f32 to vector<32x4xf32>
    %div3A_487 = arith.divf %div3A_486, %add3A_483 : vector<32x4xf32>
    %dot_general3A_488 = arith.constant dense<0.000000e+00> : vector<4x128xf32>
    %dot_general3A_489 = tpu.matmul %rsqrt3A_484, %convert_element_type3A_470, %dot_general3A_488 {dimension_numbers = #tpu.dot_dimension_numbers<[0], [0], [1], [1], [0, 1, 1, 1], [], []>, transpose_lhs_hint = false} : vector<32x4xf32>, vector<32x128xf32>, vector<4x128xf32> -> vector<4x128xf32>
    %dot_general3A_490 = arith.constant dense<0.000000e+00> : vector<4x128xf32>
    %dot_general3A_491 = tpu.matmul %rsqrt3A_484, %convert_element_type3A_474, %dot_general3A_490 {dimension_numbers = #tpu.dot_dimension_numbers<[0], [0], [1], [1], [0, 1, 1, 1], [], []>, transpose_lhs_hint = false} : vector<32x4xf32>, vector<32x128xf32>, vector<4x128xf32> -> vector<4x128xf32>
    %mul3A_492 = arith.mulf %convert_element_type3A_478, %dot_general3A_489 : vector<4x128xf32>
    %mul3A_493 = arith.mulf %mul3A_492, %dot_general3A_491 : vector<4x128xf32>
    %slice3A_494 = vector.extract_strided_slice %mul3A_493 {offsets = [0, 0], sizes = [1, 128], strides = [1, 1]} : vector<4x128xf32> to vector<1x128xf32>
    %mul3A_495 = vector.broadcast %slice3A_494 : vector<1x128xf32> to vector<32x128xf32>
    %mul3A_496 = arith.mulf %mul3A_495, %convert_element_type3A_470 : vector<32x128xf32>
    %slice3A_497 = vector.extract_strided_slice %mul3A_493 {offsets = [1, 0], sizes = [1, 128], strides = [1, 1]} : vector<4x128xf32> to vector<1x128xf32>
    %mul3A_498 = vector.broadcast %slice3A_497 : vector<1x128xf32> to vector<32x128xf32>
    %mul3A_499 = arith.mulf %mul3A_498, %convert_element_type3A_470 : vector<32x128xf32>
    %slice3A_500 = vector.extract_strided_slice %mul3A_493 {offsets = [2, 0], sizes = [1, 128], strides = [1, 1]} : vector<4x128xf32> to vector<1x128xf32>
    %mul3A_501 = vector.broadcast %slice3A_500 : vector<1x128xf32> to vector<32x128xf32>
    %mul3A_502 = arith.mulf %mul3A_501, %convert_element_type3A_470 : vector<32x128xf32>
    %slice3A_503 = vector.extract_strided_slice %mul3A_493 {offsets = [3, 0], sizes = [1, 128], strides = [1, 1]} : vector<4x128xf32> to vector<1x128xf32>
    %mul3A_504 = vector.broadcast %slice3A_503 : vector<1x128xf32> to vector<32x128xf32>
    %mul3A_505 = arith.mulf %mul3A_504, %convert_element_type3A_470 : vector<32x128xf32>
    %concatenate3A_506 = tpu.concatenate %mul3A_496, %mul3A_499, %mul3A_502, %mul3A_505 in 0 : vector<32x128xf32>, vector<32x128xf32>, vector<32x128xf32>, vector<32x128xf32> -> vector<128x128xf32>
    %dot_general3A_507 = arith.constant dense<0.000000e+00> : vector<32x128xf32>
    %dot_general3A_508 = tpu.matmul %convert_element_type3A_474, %concatenate3A_506, %dot_general3A_507 {dimension_numbers = #tpu.dot_dimension_numbers<[1], [1], [0], [0], [0, 0, 1, 0], [], []>, transpose_lhs_hint = false} : vector<32x128xf32>, vector<128x128xf32>, vector<32x128xf32> -> vector<32x128xf32>
    %slice3A_509 = vector.extract_strided_slice %div3A_487 {offsets = [0, 0], sizes = [32, 1], strides = [1, 1]} : vector<32x4xf32> to vector<32x1xf32>
    %mul3A_510 = vector.broadcast %slice3A_509 : vector<32x1xf32> to vector<32x32xf32>
    %mul3A_511 = arith.mulf %mul3A_510, %convert_element_type3A_93 : vector<32x32xf32>
    %slice3A_512 = vector.extract_strided_slice %div3A_487 {offsets = [0, 1], sizes = [32, 1], strides = [1, 1]} : vector<32x4xf32> to vector<32x1xf32>
    %mul3A_513 = vector.broadcast %slice3A_512 : vector<32x1xf32> to vector<32x32xf32>
    %mul3A_514 = arith.mulf %mul3A_513, %convert_element_type3A_93 : vector<32x32xf32>
    %slice3A_515 = vector.extract_strided_slice %div3A_487 {offsets = [0, 2], sizes = [32, 1], strides = [1, 1]} : vector<32x4xf32> to vector<32x1xf32>
    %mul3A_516 = vector.broadcast %slice3A_515 : vector<32x1xf32> to vector<32x32xf32>
    %mul3A_517 = arith.mulf %mul3A_516, %convert_element_type3A_93 : vector<32x32xf32>
    %slice3A_518 = vector.extract_strided_slice %div3A_487 {offsets = [0, 3], sizes = [32, 1], strides = [1, 1]} : vector<32x4xf32> to vector<32x1xf32>
    %mul3A_519 = vector.broadcast %slice3A_518 : vector<32x1xf32> to vector<32x32xf32>
    %mul3A_520 = arith.mulf %mul3A_519, %convert_element_type3A_93 : vector<32x32xf32>
    %concatenate3A_521 = tpu.concatenate %mul3A_511, %mul3A_514, %mul3A_517, %mul3A_520 in 1 : vector<32x32xf32>, vector<32x32xf32>, vector<32x32xf32>, vector<32x32xf32> -> vector<32x128xf32>
    %add3A_522 = arith.addf %dot_general3A_508, %concatenate3A_521 : vector<32x128xf32>
    %slice3A_523 = vector.extract_strided_slice %dot_general3A_68 {offsets = [160, 0], sizes = [32, 128], strides = [1, 1]} : vector<256x128xf32> to vector<32x128xf32>
    %slice3A_524 = vector.extract_strided_slice %dot_general3A_75 {offsets = [160, 0], sizes = [32, 128], strides = [1, 1]} : vector<256x128xf32> to vector<32x128xf32>
    %slice3A_525 = vector.extract_strided_slice %dot_general3A_82 {offsets = [160, 0], sizes = [32, 128], strides = [1, 1]} : vector<256x128xf32> to vector<32x128xf32>
    %slice3A_526 = vector.extract_strided_slice %dot_general3A_89 {offsets = [160, 0], sizes = [32, 128], strides = [1, 1]} : vector<256x128xf32> to vector<32x128xf32>
    %concatenate3A_527 = tpu.concatenate %slice3A_523, %slice3A_524, %slice3A_525, %slice3A_526 in 0 : vector<32x128xf32>, vector<32x128xf32>, vector<32x128xf32>, vector<32x128xf32> -> vector<128x128xf32>
    %dot_general3A_528 = arith.constant dense<0.000000e+00> : vector<32x128xf32>
    %dot_general3A_529 = tpu.matmul %add3A_522, %concatenate3A_527, %dot_general3A_528 {dimension_numbers = #tpu.dot_dimension_numbers<[1], [0], [0], [1], [0, 0, 1, 1], [], []>, transpose_lhs_hint = false} : vector<32x128xf32>, vector<128x128xf32>, vector<32x128xf32> -> vector<32x128xf32>
    %slice3A_530 = vector.extract_strided_slice %dot_general3A_61 {offsets = [160, 0], sizes = [32, 128], strides = [1, 1]} : vector<256x128xf32> to vector<32x128xf32>
    %add3A_531 = arith.addf %dot_general3A_529, %slice3A_530 : vector<32x128xf32>
    %get3A_532 = arith.constant 6 : index
    %get3A_533 = arith.constant 0 : index
    %get3A_534 = vector.load %arg0[%get3A_532, %get3A_533] : memref<8x128xi32, #tpu.memory_space<vmem>>, vector<1x128xi32>
    %get3A_535 = arith.constant 6 : index
    %get3A_536 = arith.constant 0 : index
    %get3A_537 = vector.load %arg1[%get3A_535, %get3A_536] : memref<8x128xi32, #tpu.memory_space<vmem>>, vector<1x128xi32>
    %get3A_538 = arith.constant 6 : index
    %get3A_539 = arith.constant 0 : index
    %get3A_540 = vector.load %arg2[%get3A_538, %get3A_539] : memref<8x128xi32, #tpu.memory_space<vmem>>, vector<1x128xi32>
    %eq3A_541 = vector.broadcast %get3A_534 : vector<1x128xi32> to vector<32x128xi32>
    %eq3A_542 = arith.cmpi eq, %eq3A_541, %iota3A : vector<32x128xi32>
    %convert_element_type3A_543 = arith.extui %eq3A_542 : vector<32x128xi1> to vector<32x128xi32>
    %convert_element_type3A_544 = arith.sitofp %convert_element_type3A_543 : vector<32x128xi32> to vector<32x128xf32>
    %eq3A_545 = vector.broadcast %get3A_537 : vector<1x128xi32> to vector<32x128xi32>
    %eq3A_546 = arith.cmpi eq, %eq3A_545, %iota3A : vector<32x128xi32>
    %convert_element_type3A_547 = arith.extui %eq3A_546 : vector<32x128xi1> to vector<32x128xi32>
    %convert_element_type3A_548 = arith.sitofp %convert_element_type3A_547 : vector<32x128xi32> to vector<32x128xf32>
    %eq3A_549 = vector.broadcast %get3A_540 : vector<1x128xi32> to vector<4x128xi32>
    %eq3A_550 = arith.cmpi eq, %eq3A_549, %iota3A_90 : vector<4x128xi32>
    %convert_element_type3A_551 = arith.extui %eq3A_550 : vector<4x128xi1> to vector<4x128xi32>
    %convert_element_type3A_552 = arith.sitofp %convert_element_type3A_551 : vector<4x128xi32> to vector<4x128xf32>
    %dot_general3A_553 = arith.constant dense<0.000000e+00> : vector<32x4xf32>
    %dot_general3A_554 = tpu.matmul %convert_element_type3A_548, %convert_element_type3A_552, %dot_general3A_553 {dimension_numbers = #tpu.dot_dimension_numbers<[1], [1], [0], [0], [0, 0, 1, 0], [], []>, transpose_lhs_hint = false} : vector<32x128xf32>, vector<4x128xf32>, vector<32x4xf32> -> vector<32x4xf32>
    %add3A_555 = arith.constant 1.000000e+00 : f32
    %add3A_556 = vector.broadcast %add3A_555 : f32 to vector<32x4xf32>
    %add3A_557 = arith.addf %dot_general3A_554, %add3A_556 : vector<32x4xf32>
    %rsqrt3A_558 = math.rsqrt %add3A_557 : vector<32x4xf32>
    %div3A_559 = arith.constant 1.000000e+00 : f32
    %div3A_560 = vector.broadcast %div3A_559 : f32 to vector<32x4xf32>
    %div3A_561 = arith.divf %div3A_560, %add3A_557 : vector<32x4xf32>
    %dot_general3A_562 = arith.constant dense<0.000000e+00> : vector<4x128xf32>
    %dot_general3A_563 = tpu.matmul %rsqrt3A_558, %convert_element_type3A_544, %dot_general3A_562 {dimension_numbers = #tpu.dot_dimension_numbers<[0], [0], [1], [1], [0, 1, 1, 1], [], []>, transpose_lhs_hint = false} : vector<32x4xf32>, vector<32x128xf32>, vector<4x128xf32> -> vector<4x128xf32>
    %dot_general3A_564 = arith.constant dense<0.000000e+00> : vector<4x128xf32>
    %dot_general3A_565 = tpu.matmul %rsqrt3A_558, %convert_element_type3A_548, %dot_general3A_564 {dimension_numbers = #tpu.dot_dimension_numbers<[0], [0], [1], [1], [0, 1, 1, 1], [], []>, transpose_lhs_hint = false} : vector<32x4xf32>, vector<32x128xf32>, vector<4x128xf32> -> vector<4x128xf32>
    %mul3A_566 = arith.mulf %convert_element_type3A_552, %dot_general3A_563 : vector<4x128xf32>
    %mul3A_567 = arith.mulf %mul3A_566, %dot_general3A_565 : vector<4x128xf32>
    %slice3A_568 = vector.extract_strided_slice %mul3A_567 {offsets = [0, 0], sizes = [1, 128], strides = [1, 1]} : vector<4x128xf32> to vector<1x128xf32>
    %mul3A_569 = vector.broadcast %slice3A_568 : vector<1x128xf32> to vector<32x128xf32>
    %mul3A_570 = arith.mulf %mul3A_569, %convert_element_type3A_544 : vector<32x128xf32>
    %slice3A_571 = vector.extract_strided_slice %mul3A_567 {offsets = [1, 0], sizes = [1, 128], strides = [1, 1]} : vector<4x128xf32> to vector<1x128xf32>
    %mul3A_572 = vector.broadcast %slice3A_571 : vector<1x128xf32> to vector<32x128xf32>
    %mul3A_573 = arith.mulf %mul3A_572, %convert_element_type3A_544 : vector<32x128xf32>
    %slice3A_574 = vector.extract_strided_slice %mul3A_567 {offsets = [2, 0], sizes = [1, 128], strides = [1, 1]} : vector<4x128xf32> to vector<1x128xf32>
    %mul3A_575 = vector.broadcast %slice3A_574 : vector<1x128xf32> to vector<32x128xf32>
    %mul3A_576 = arith.mulf %mul3A_575, %convert_element_type3A_544 : vector<32x128xf32>
    %slice3A_577 = vector.extract_strided_slice %mul3A_567 {offsets = [3, 0], sizes = [1, 128], strides = [1, 1]} : vector<4x128xf32> to vector<1x128xf32>
    %mul3A_578 = vector.broadcast %slice3A_577 : vector<1x128xf32> to vector<32x128xf32>
    %mul3A_579 = arith.mulf %mul3A_578, %convert_element_type3A_544 : vector<32x128xf32>
    %concatenate3A_580 = tpu.concatenate %mul3A_570, %mul3A_573, %mul3A_576, %mul3A_579 in 0 : vector<32x128xf32>, vector<32x128xf32>, vector<32x128xf32>, vector<32x128xf32> -> vector<128x128xf32>
    %dot_general3A_581 = arith.constant dense<0.000000e+00> : vector<32x128xf32>
    %dot_general3A_582 = tpu.matmul %convert_element_type3A_548, %concatenate3A_580, %dot_general3A_581 {dimension_numbers = #tpu.dot_dimension_numbers<[1], [1], [0], [0], [0, 0, 1, 0], [], []>, transpose_lhs_hint = false} : vector<32x128xf32>, vector<128x128xf32>, vector<32x128xf32> -> vector<32x128xf32>
    %slice3A_583 = vector.extract_strided_slice %div3A_561 {offsets = [0, 0], sizes = [32, 1], strides = [1, 1]} : vector<32x4xf32> to vector<32x1xf32>
    %mul3A_584 = vector.broadcast %slice3A_583 : vector<32x1xf32> to vector<32x32xf32>
    %mul3A_585 = arith.mulf %mul3A_584, %convert_element_type3A_93 : vector<32x32xf32>
    %slice3A_586 = vector.extract_strided_slice %div3A_561 {offsets = [0, 1], sizes = [32, 1], strides = [1, 1]} : vector<32x4xf32> to vector<32x1xf32>
    %mul3A_587 = vector.broadcast %slice3A_586 : vector<32x1xf32> to vector<32x32xf32>
    %mul3A_588 = arith.mulf %mul3A_587, %convert_element_type3A_93 : vector<32x32xf32>
    %slice3A_589 = vector.extract_strided_slice %div3A_561 {offsets = [0, 2], sizes = [32, 1], strides = [1, 1]} : vector<32x4xf32> to vector<32x1xf32>
    %mul3A_590 = vector.broadcast %slice3A_589 : vector<32x1xf32> to vector<32x32xf32>
    %mul3A_591 = arith.mulf %mul3A_590, %convert_element_type3A_93 : vector<32x32xf32>
    %slice3A_592 = vector.extract_strided_slice %div3A_561 {offsets = [0, 3], sizes = [32, 1], strides = [1, 1]} : vector<32x4xf32> to vector<32x1xf32>
    %mul3A_593 = vector.broadcast %slice3A_592 : vector<32x1xf32> to vector<32x32xf32>
    %mul3A_594 = arith.mulf %mul3A_593, %convert_element_type3A_93 : vector<32x32xf32>
    %concatenate3A_595 = tpu.concatenate %mul3A_585, %mul3A_588, %mul3A_591, %mul3A_594 in 1 : vector<32x32xf32>, vector<32x32xf32>, vector<32x32xf32>, vector<32x32xf32> -> vector<32x128xf32>
    %add3A_596 = arith.addf %dot_general3A_582, %concatenate3A_595 : vector<32x128xf32>
    %slice3A_597 = vector.extract_strided_slice %dot_general3A_68 {offsets = [192, 0], sizes = [32, 128], strides = [1, 1]} : vector<256x128xf32> to vector<32x128xf32>
    %slice3A_598 = vector.extract_strided_slice %dot_general3A_75 {offsets = [192, 0], sizes = [32, 128], strides = [1, 1]} : vector<256x128xf32> to vector<32x128xf32>
    %slice3A_599 = vector.extract_strided_slice %dot_general3A_82 {offsets = [192, 0], sizes = [32, 128], strides = [1, 1]} : vector<256x128xf32> to vector<32x128xf32>
    %slice3A_600 = vector.extract_strided_slice %dot_general3A_89 {offsets = [192, 0], sizes = [32, 128], strides = [1, 1]} : vector<256x128xf32> to vector<32x128xf32>
    %concatenate3A_601 = tpu.concatenate %slice3A_597, %slice3A_598, %slice3A_599, %slice3A_600 in 0 : vector<32x128xf32>, vector<32x128xf32>, vector<32x128xf32>, vector<32x128xf32> -> vector<128x128xf32>
    %dot_general3A_602 = arith.constant dense<0.000000e+00> : vector<32x128xf32>
    %dot_general3A_603 = tpu.matmul %add3A_596, %concatenate3A_601, %dot_general3A_602 {dimension_numbers = #tpu.dot_dimension_numbers<[1], [0], [0], [1], [0, 0, 1, 1], [], []>, transpose_lhs_hint = false} : vector<32x128xf32>, vector<128x128xf32>, vector<32x128xf32> -> vector<32x128xf32>
    %slice3A_604 = vector.extract_strided_slice %dot_general3A_61 {offsets = [192, 0], sizes = [32, 128], strides = [1, 1]} : vector<256x128xf32> to vector<32x128xf32>
    %add3A_605 = arith.addf %dot_general3A_603, %slice3A_604 : vector<32x128xf32>
    %get3A_606 = arith.constant 7 : index
    %get3A_607 = arith.constant 0 : index
    %get3A_608 = vector.load %arg0[%get3A_606, %get3A_607] : memref<8x128xi32, #tpu.memory_space<vmem>>, vector<1x128xi32>
    %get3A_609 = arith.constant 7 : index
    %get3A_610 = arith.constant 0 : index
    %get3A_611 = vector.load %arg1[%get3A_609, %get3A_610] : memref<8x128xi32, #tpu.memory_space<vmem>>, vector<1x128xi32>
    %get3A_612 = arith.constant 7 : index
    %get3A_613 = arith.constant 0 : index
    %get3A_614 = vector.load %arg2[%get3A_612, %get3A_613] : memref<8x128xi32, #tpu.memory_space<vmem>>, vector<1x128xi32>
    %eq3A_615 = vector.broadcast %get3A_608 : vector<1x128xi32> to vector<32x128xi32>
    %eq3A_616 = arith.cmpi eq, %eq3A_615, %iota3A : vector<32x128xi32>
    %convert_element_type3A_617 = arith.extui %eq3A_616 : vector<32x128xi1> to vector<32x128xi32>
    %convert_element_type3A_618 = arith.sitofp %convert_element_type3A_617 : vector<32x128xi32> to vector<32x128xf32>
    %eq3A_619 = vector.broadcast %get3A_611 : vector<1x128xi32> to vector<32x128xi32>
    %eq3A_620 = arith.cmpi eq, %eq3A_619, %iota3A : vector<32x128xi32>
    %convert_element_type3A_621 = arith.extui %eq3A_620 : vector<32x128xi1> to vector<32x128xi32>
    %convert_element_type3A_622 = arith.sitofp %convert_element_type3A_621 : vector<32x128xi32> to vector<32x128xf32>
    %eq3A_623 = vector.broadcast %get3A_614 : vector<1x128xi32> to vector<4x128xi32>
    %eq3A_624 = arith.cmpi eq, %eq3A_623, %iota3A_90 : vector<4x128xi32>
    %convert_element_type3A_625 = arith.extui %eq3A_624 : vector<4x128xi1> to vector<4x128xi32>
    %convert_element_type3A_626 = arith.sitofp %convert_element_type3A_625 : vector<4x128xi32> to vector<4x128xf32>
    %dot_general3A_627 = arith.constant dense<0.000000e+00> : vector<32x4xf32>
    %dot_general3A_628 = tpu.matmul %convert_element_type3A_622, %convert_element_type3A_626, %dot_general3A_627 {dimension_numbers = #tpu.dot_dimension_numbers<[1], [1], [0], [0], [0, 0, 1, 0], [], []>, transpose_lhs_hint = false} : vector<32x128xf32>, vector<4x128xf32>, vector<32x4xf32> -> vector<32x4xf32>
    %add3A_629 = arith.constant 1.000000e+00 : f32
    %add3A_630 = vector.broadcast %add3A_629 : f32 to vector<32x4xf32>
    %add3A_631 = arith.addf %dot_general3A_628, %add3A_630 : vector<32x4xf32>
    %rsqrt3A_632 = math.rsqrt %add3A_631 : vector<32x4xf32>
    %div3A_633 = arith.constant 1.000000e+00 : f32
    %div3A_634 = vector.broadcast %div3A_633 : f32 to vector<32x4xf32>
    %div3A_635 = arith.divf %div3A_634, %add3A_631 : vector<32x4xf32>
    %dot_general3A_636 = arith.constant dense<0.000000e+00> : vector<4x128xf32>
    %dot_general3A_637 = tpu.matmul %rsqrt3A_632, %convert_element_type3A_618, %dot_general3A_636 {dimension_numbers = #tpu.dot_dimension_numbers<[0], [0], [1], [1], [0, 1, 1, 1], [], []>, transpose_lhs_hint = false} : vector<32x4xf32>, vector<32x128xf32>, vector<4x128xf32> -> vector<4x128xf32>
    %dot_general3A_638 = arith.constant dense<0.000000e+00> : vector<4x128xf32>
    %dot_general3A_639 = tpu.matmul %rsqrt3A_632, %convert_element_type3A_622, %dot_general3A_638 {dimension_numbers = #tpu.dot_dimension_numbers<[0], [0], [1], [1], [0, 1, 1, 1], [], []>, transpose_lhs_hint = false} : vector<32x4xf32>, vector<32x128xf32>, vector<4x128xf32> -> vector<4x128xf32>
    %mul3A_640 = arith.mulf %convert_element_type3A_626, %dot_general3A_637 : vector<4x128xf32>
    %mul3A_641 = arith.mulf %mul3A_640, %dot_general3A_639 : vector<4x128xf32>
    %slice3A_642 = vector.extract_strided_slice %mul3A_641 {offsets = [0, 0], sizes = [1, 128], strides = [1, 1]} : vector<4x128xf32> to vector<1x128xf32>
    %mul3A_643 = vector.broadcast %slice3A_642 : vector<1x128xf32> to vector<32x128xf32>
    %mul3A_644 = arith.mulf %mul3A_643, %convert_element_type3A_618 : vector<32x128xf32>
    %slice3A_645 = vector.extract_strided_slice %mul3A_641 {offsets = [1, 0], sizes = [1, 128], strides = [1, 1]} : vector<4x128xf32> to vector<1x128xf32>
    %mul3A_646 = vector.broadcast %slice3A_645 : vector<1x128xf32> to vector<32x128xf32>
    %mul3A_647 = arith.mulf %mul3A_646, %convert_element_type3A_618 : vector<32x128xf32>
    %slice3A_648 = vector.extract_strided_slice %mul3A_641 {offsets = [2, 0], sizes = [1, 128], strides = [1, 1]} : vector<4x128xf32> to vector<1x128xf32>
    %mul3A_649 = vector.broadcast %slice3A_648 : vector<1x128xf32> to vector<32x128xf32>
    %mul3A_650 = arith.mulf %mul3A_649, %convert_element_type3A_618 : vector<32x128xf32>
    %slice3A_651 = vector.extract_strided_slice %mul3A_641 {offsets = [3, 0], sizes = [1, 128], strides = [1, 1]} : vector<4x128xf32> to vector<1x128xf32>
    %mul3A_652 = vector.broadcast %slice3A_651 : vector<1x128xf32> to vector<32x128xf32>
    %mul3A_653 = arith.mulf %mul3A_652, %convert_element_type3A_618 : vector<32x128xf32>
    %concatenate3A_654 = tpu.concatenate %mul3A_644, %mul3A_647, %mul3A_650, %mul3A_653 in 0 : vector<32x128xf32>, vector<32x128xf32>, vector<32x128xf32>, vector<32x128xf32> -> vector<128x128xf32>
    %dot_general3A_655 = arith.constant dense<0.000000e+00> : vector<32x128xf32>
    %dot_general3A_656 = tpu.matmul %convert_element_type3A_622, %concatenate3A_654, %dot_general3A_655 {dimension_numbers = #tpu.dot_dimension_numbers<[1], [1], [0], [0], [0, 0, 1, 0], [], []>, transpose_lhs_hint = false} : vector<32x128xf32>, vector<128x128xf32>, vector<32x128xf32> -> vector<32x128xf32>
    %slice3A_657 = vector.extract_strided_slice %div3A_635 {offsets = [0, 0], sizes = [32, 1], strides = [1, 1]} : vector<32x4xf32> to vector<32x1xf32>
    %mul3A_658 = vector.broadcast %slice3A_657 : vector<32x1xf32> to vector<32x32xf32>
    %mul3A_659 = arith.mulf %mul3A_658, %convert_element_type3A_93 : vector<32x32xf32>
    %slice3A_660 = vector.extract_strided_slice %div3A_635 {offsets = [0, 1], sizes = [32, 1], strides = [1, 1]} : vector<32x4xf32> to vector<32x1xf32>
    %mul3A_661 = vector.broadcast %slice3A_660 : vector<32x1xf32> to vector<32x32xf32>
    %mul3A_662 = arith.mulf %mul3A_661, %convert_element_type3A_93 : vector<32x32xf32>
    %slice3A_663 = vector.extract_strided_slice %div3A_635 {offsets = [0, 2], sizes = [32, 1], strides = [1, 1]} : vector<32x4xf32> to vector<32x1xf32>
    %mul3A_664 = vector.broadcast %slice3A_663 : vector<32x1xf32> to vector<32x32xf32>
    %mul3A_665 = arith.mulf %mul3A_664, %convert_element_type3A_93 : vector<32x32xf32>
    %slice3A_666 = vector.extract_strided_slice %div3A_635 {offsets = [0, 3], sizes = [32, 1], strides = [1, 1]} : vector<32x4xf32> to vector<32x1xf32>
    %mul3A_667 = vector.broadcast %slice3A_666 : vector<32x1xf32> to vector<32x32xf32>
    %mul3A_668 = arith.mulf %mul3A_667, %convert_element_type3A_93 : vector<32x32xf32>
    %concatenate3A_669 = tpu.concatenate %mul3A_659, %mul3A_662, %mul3A_665, %mul3A_668 in 1 : vector<32x32xf32>, vector<32x32xf32>, vector<32x32xf32>, vector<32x32xf32> -> vector<32x128xf32>
    %add3A_670 = arith.addf %dot_general3A_656, %concatenate3A_669 : vector<32x128xf32>
    %slice3A_671 = vector.extract_strided_slice %dot_general3A_68 {offsets = [224, 0], sizes = [32, 128], strides = [1, 1]} : vector<256x128xf32> to vector<32x128xf32>
    %slice3A_672 = vector.extract_strided_slice %dot_general3A_75 {offsets = [224, 0], sizes = [32, 128], strides = [1, 1]} : vector<256x128xf32> to vector<32x128xf32>
    %slice3A_673 = vector.extract_strided_slice %dot_general3A_82 {offsets = [224, 0], sizes = [32, 128], strides = [1, 1]} : vector<256x128xf32> to vector<32x128xf32>
    %slice3A_674 = vector.extract_strided_slice %dot_general3A_89 {offsets = [224, 0], sizes = [32, 128], strides = [1, 1]} : vector<256x128xf32> to vector<32x128xf32>
    %concatenate3A_675 = tpu.concatenate %slice3A_671, %slice3A_672, %slice3A_673, %slice3A_674 in 0 : vector<32x128xf32>, vector<32x128xf32>, vector<32x128xf32>, vector<32x128xf32> -> vector<128x128xf32>
    %dot_general3A_676 = arith.constant dense<0.000000e+00> : vector<32x128xf32>
    %dot_general3A_677 = tpu.matmul %add3A_670, %concatenate3A_675, %dot_general3A_676 {dimension_numbers = #tpu.dot_dimension_numbers<[1], [0], [0], [1], [0, 0, 1, 1], [], []>, transpose_lhs_hint = false} : vector<32x128xf32>, vector<128x128xf32>, vector<32x128xf32> -> vector<32x128xf32>
    %slice3A_678 = vector.extract_strided_slice %dot_general3A_61 {offsets = [224, 0], sizes = [32, 128], strides = [1, 1]} : vector<256x128xf32> to vector<32x128xf32>
    %add3A_679 = arith.addf %dot_general3A_677, %slice3A_678 : vector<32x128xf32>
    %broadcast_in_dim3A = arith.constant 0.000000e+00 : f32
    %broadcast_in_dim3A_680 = vector.broadcast %broadcast_in_dim3A : f32 to vector<32x128xf32>
    %slice3A_681 = vector.extract_strided_slice %broadcast_in_dim3A_680 {offsets = [0, 0], sizes = [1, 128], strides = [1, 1]} : vector<32x128xf32> to vector<1x128xf32>
    %get3A_682 = arith.constant 0 : index
    %get3A_683 = arith.constant 0 : index
    %get3A_684 = vector.load %arg8[%get3A_682, %get3A_683] : memref<128x128xf32, #tpu.memory_space<vmem>>, vector<128x128xf32>
    %dot_general3A_685 = arith.constant dense<0.000000e+00> : vector<1x128xf32>
    %dot_general3A_686 = tpu.matmul %slice3A_681, %get3A_684, %dot_general3A_685 {dimension_numbers = #tpu.dot_dimension_numbers<[1], [0], [0], [1], [0, 0, 1, 1], [], []>, transpose_lhs_hint = false} : vector<1x128xf32>, vector<128x128xf32>, vector<1x128xf32> -> vector<1x128xf32>
    %slice3A_687 = vector.extract_strided_slice %dot_general3A_56 {offsets = [0, 0], sizes = [1, 128], strides = [1, 1]} : vector<8x128xf32> to vector<1x128xf32>
    %add3A_688 = arith.addf %slice3A_687, %dot_general3A_686 : vector<1x128xf32>
    %neg3A = arith.constant 0.000000e+00 : f32
    %neg3A_689 = vector.broadcast %neg3A : f32 to vector<1x128xf32>
    %neg3A_690 = arith.subf %neg3A_689, %add3A_688 : vector<1x128xf32>
    %exp3A = math.exp %neg3A_690 : vector<1x128xf32>
    %add3A_691 = arith.constant 1.000000e+00 : f32
    %add3A_692 = vector.broadcast %add3A_691 : f32 to vector<1x128xf32>
    %add3A_693 = arith.addf %add3A_692, %exp3A : vector<1x128xf32>
    %div3A_694 = arith.constant 1.000000e+00 : f32
    %div3A_695 = vector.broadcast %div3A_694 : f32 to vector<1x128xf32>
    %div3A_696 = arith.divf %div3A_695, %add3A_693 : vector<1x128xf32>
    %mul3A_697 = vector.broadcast %div3A_696 : vector<1x128xf32> to vector<32x128xf32>
    %mul3A_698 = arith.mulf %mul3A_697, %add3A_161 : vector<32x128xf32>
    %sub3A = arith.constant 1.000000e+00 : f32
    %sub3A_699 = vector.broadcast %sub3A : f32 to vector<1x128xf32>
    %sub3A_700 = arith.subf %sub3A_699, %div3A_696 : vector<1x128xf32>
    %mul3A_701 = vector.broadcast %sub3A_700 : vector<1x128xf32> to vector<32x128xf32>
    %mul3A_702 = arith.mulf %mul3A_701, %broadcast_in_dim3A_680 : vector<32x128xf32>
    %add3A_703 = arith.addf %mul3A_698, %mul3A_702 : vector<32x128xf32>
    %slice3A_704 = vector.extract_strided_slice %add3A_703 {offsets = [0, 0], sizes = [1, 128], strides = [1, 1]} : vector<32x128xf32> to vector<1x128xf32>
    %max3A = arith.constant 0.000000e+00 : f32
    %max3A_705 = vector.broadcast %max3A : f32 to vector<1x128xf32>
    %max3A_706 = arith.maximumf %slice3A_704, %max3A_705 : vector<1x128xf32>
    %slice3A_707 = vector.extract_strided_slice %add3A_703 {offsets = [0, 0], sizes = [1, 128], strides = [1, 1]} : vector<32x128xf32> to vector<1x128xf32>
    %get3A_708 = arith.constant 0 : index
    %get3A_709 = arith.constant 0 : index
    %get3A_710 = vector.load %arg8[%get3A_708, %get3A_709] : memref<128x128xf32, #tpu.memory_space<vmem>>, vector<128x128xf32>
    %dot_general3A_711 = arith.constant dense<0.000000e+00> : vector<1x128xf32>
    %dot_general3A_712 = tpu.matmul %slice3A_707, %get3A_710, %dot_general3A_711 {dimension_numbers = #tpu.dot_dimension_numbers<[1], [0], [0], [1], [0, 0, 1, 1], [], []>, transpose_lhs_hint = false} : vector<1x128xf32>, vector<128x128xf32>, vector<1x128xf32> -> vector<1x128xf32>
    %slice3A_713 = vector.extract_strided_slice %dot_general3A_56 {offsets = [1, 0], sizes = [1, 128], strides = [1, 1]} : vector<8x128xf32> to vector<1x128xf32>
    %add3A_714 = arith.addf %slice3A_713, %dot_general3A_712 : vector<1x128xf32>
    %neg3A_715 = arith.constant 0.000000e+00 : f32
    %neg3A_716 = vector.broadcast %neg3A_715 : f32 to vector<1x128xf32>
    %neg3A_717 = arith.subf %neg3A_716, %add3A_714 : vector<1x128xf32>
    %exp3A_718 = math.exp %neg3A_717 : vector<1x128xf32>
    %add3A_719 = arith.constant 1.000000e+00 : f32
    %add3A_720 = vector.broadcast %add3A_719 : f32 to vector<1x128xf32>
    %add3A_721 = arith.addf %add3A_720, %exp3A_718 : vector<1x128xf32>
    %div3A_722 = arith.constant 1.000000e+00 : f32
    %div3A_723 = vector.broadcast %div3A_722 : f32 to vector<1x128xf32>
    %div3A_724 = arith.divf %div3A_723, %add3A_721 : vector<1x128xf32>
    %mul3A_725 = vector.broadcast %div3A_724 : vector<1x128xf32> to vector<32x128xf32>
    %mul3A_726 = arith.mulf %mul3A_725, %add3A_235 : vector<32x128xf32>
    %sub3A_727 = arith.constant 1.000000e+00 : f32
    %sub3A_728 = vector.broadcast %sub3A_727 : f32 to vector<1x128xf32>
    %sub3A_729 = arith.subf %sub3A_728, %div3A_724 : vector<1x128xf32>
    %mul3A_730 = vector.broadcast %sub3A_729 : vector<1x128xf32> to vector<32x128xf32>
    %mul3A_731 = arith.mulf %mul3A_730, %add3A_703 : vector<32x128xf32>
    %add3A_732 = arith.addf %mul3A_726, %mul3A_731 : vector<32x128xf32>
    %slice3A_733 = vector.extract_strided_slice %add3A_732 {offsets = [0, 0], sizes = [1, 128], strides = [1, 1]} : vector<32x128xf32> to vector<1x128xf32>
    %max3A_734 = arith.constant 0.000000e+00 : f32
    %max3A_735 = vector.broadcast %max3A_734 : f32 to vector<1x128xf32>
    %max3A_736 = arith.maximumf %slice3A_733, %max3A_735 : vector<1x128xf32>
    %slice3A_737 = vector.extract_strided_slice %add3A_732 {offsets = [0, 0], sizes = [1, 128], strides = [1, 1]} : vector<32x128xf32> to vector<1x128xf32>
    %get3A_738 = arith.constant 0 : index
    %get3A_739 = arith.constant 0 : index
    %get3A_740 = vector.load %arg8[%get3A_738, %get3A_739] : memref<128x128xf32, #tpu.memory_space<vmem>>, vector<128x128xf32>
    %dot_general3A_741 = arith.constant dense<0.000000e+00> : vector<1x128xf32>
    %dot_general3A_742 = tpu.matmul %slice3A_737, %get3A_740, %dot_general3A_741 {dimension_numbers = #tpu.dot_dimension_numbers<[1], [0], [0], [1], [0, 0, 1, 1], [], []>, transpose_lhs_hint = false} : vector<1x128xf32>, vector<128x128xf32>, vector<1x128xf32> -> vector<1x128xf32>
    %slice3A_743 = vector.extract_strided_slice %dot_general3A_56 {offsets = [2, 0], sizes = [1, 128], strides = [1, 1]} : vector<8x128xf32> to vector<1x128xf32>
    %add3A_744 = arith.addf %slice3A_743, %dot_general3A_742 : vector<1x128xf32>
    %neg3A_745 = arith.constant 0.000000e+00 : f32
    %neg3A_746 = vector.broadcast %neg3A_745 : f32 to vector<1x128xf32>
    %neg3A_747 = arith.subf %neg3A_746, %add3A_744 : vector<1x128xf32>
    %exp3A_748 = math.exp %neg3A_747 : vector<1x128xf32>
    %add3A_749 = arith.constant 1.000000e+00 : f32
    %add3A_750 = vector.broadcast %add3A_749 : f32 to vector<1x128xf32>
    %add3A_751 = arith.addf %add3A_750, %exp3A_748 : vector<1x128xf32>
    %div3A_752 = arith.constant 1.000000e+00 : f32
    %div3A_753 = vector.broadcast %div3A_752 : f32 to vector<1x128xf32>
    %div3A_754 = arith.divf %div3A_753, %add3A_751 : vector<1x128xf32>
    %mul3A_755 = vector.broadcast %div3A_754 : vector<1x128xf32> to vector<32x128xf32>
    %mul3A_756 = arith.mulf %mul3A_755, %add3A_309 : vector<32x128xf32>
    %sub3A_757 = arith.constant 1.000000e+00 : f32
    %sub3A_758 = vector.broadcast %sub3A_757 : f32 to vector<1x128xf32>
    %sub3A_759 = arith.subf %sub3A_758, %div3A_754 : vector<1x128xf32>
    %mul3A_760 = vector.broadcast %sub3A_759 : vector<1x128xf32> to vector<32x128xf32>
    %mul3A_761 = arith.mulf %mul3A_760, %add3A_732 : vector<32x128xf32>
    %add3A_762 = arith.addf %mul3A_756, %mul3A_761 : vector<32x128xf32>
    %slice3A_763 = vector.extract_strided_slice %add3A_762 {offsets = [0, 0], sizes = [1, 128], strides = [1, 1]} : vector<32x128xf32> to vector<1x128xf32>
    %max3A_764 = arith.constant 0.000000e+00 : f32
    %max3A_765 = vector.broadcast %max3A_764 : f32 to vector<1x128xf32>
    %max3A_766 = arith.maximumf %slice3A_763, %max3A_765 : vector<1x128xf32>
    %slice3A_767 = vector.extract_strided_slice %add3A_762 {offsets = [0, 0], sizes = [1, 128], strides = [1, 1]} : vector<32x128xf32> to vector<1x128xf32>
    %get3A_768 = arith.constant 0 : index
    %get3A_769 = arith.constant 0 : index
    %get3A_770 = vector.load %arg8[%get3A_768, %get3A_769] : memref<128x128xf32, #tpu.memory_space<vmem>>, vector<128x128xf32>
    %dot_general3A_771 = arith.constant dense<0.000000e+00> : vector<1x128xf32>
    %dot_general3A_772 = tpu.matmul %slice3A_767, %get3A_770, %dot_general3A_771 {dimension_numbers = #tpu.dot_dimension_numbers<[1], [0], [0], [1], [0, 0, 1, 1], [], []>, transpose_lhs_hint = false} : vector<1x128xf32>, vector<128x128xf32>, vector<1x128xf32> -> vector<1x128xf32>
    %slice3A_773 = vector.extract_strided_slice %dot_general3A_56 {offsets = [3, 0], sizes = [1, 128], strides = [1, 1]} : vector<8x128xf32> to vector<1x128xf32>
    %add3A_774 = arith.addf %slice3A_773, %dot_general3A_772 : vector<1x128xf32>
    %neg3A_775 = arith.constant 0.000000e+00 : f32
    %neg3A_776 = vector.broadcast %neg3A_775 : f32 to vector<1x128xf32>
    %neg3A_777 = arith.subf %neg3A_776, %add3A_774 : vector<1x128xf32>
    %exp3A_778 = math.exp %neg3A_777 : vector<1x128xf32>
    %add3A_779 = arith.constant 1.000000e+00 : f32
    %add3A_780 = vector.broadcast %add3A_779 : f32 to vector<1x128xf32>
    %add3A_781 = arith.addf %add3A_780, %exp3A_778 : vector<1x128xf32>
    %div3A_782 = arith.constant 1.000000e+00 : f32
    %div3A_783 = vector.broadcast %div3A_782 : f32 to vector<1x128xf32>
    %div3A_784 = arith.divf %div3A_783, %add3A_781 : vector<1x128xf32>
    %mul3A_785 = vector.broadcast %div3A_784 : vector<1x128xf32> to vector<32x128xf32>
    %mul3A_786 = arith.mulf %mul3A_785, %add3A_383 : vector<32x128xf32>
    %sub3A_787 = arith.constant 1.000000e+00 : f32
    %sub3A_788 = vector.broadcast %sub3A_787 : f32 to vector<1x128xf32>
    %sub3A_789 = arith.subf %sub3A_788, %div3A_784 : vector<1x128xf32>
    %mul3A_790 = vector.broadcast %sub3A_789 : vector<1x128xf32> to vector<32x128xf32>
    %mul3A_791 = arith.mulf %mul3A_790, %add3A_762 : vector<32x128xf32>
    %add3A_792 = arith.addf %mul3A_786, %mul3A_791 : vector<32x128xf32>
    %slice3A_793 = vector.extract_strided_slice %add3A_792 {offsets = [0, 0], sizes = [1, 128], strides = [1, 1]} : vector<32x128xf32> to vector<1x128xf32>
    %max3A_794 = arith.constant 0.000000e+00 : f32
    %max3A_795 = vector.broadcast %max3A_794 : f32 to vector<1x128xf32>
    %max3A_796 = arith.maximumf %slice3A_793, %max3A_795 : vector<1x128xf32>
    %slice3A_797 = vector.extract_strided_slice %add3A_792 {offsets = [0, 0], sizes = [1, 128], strides = [1, 1]} : vector<32x128xf32> to vector<1x128xf32>
    %get3A_798 = arith.constant 0 : index
    %get3A_799 = arith.constant 0 : index
    %get3A_800 = vector.load %arg8[%get3A_798, %get3A_799] : memref<128x128xf32, #tpu.memory_space<vmem>>, vector<128x128xf32>
    %dot_general3A_801 = arith.constant dense<0.000000e+00> : vector<1x128xf32>
    %dot_general3A_802 = tpu.matmul %slice3A_797, %get3A_800, %dot_general3A_801 {dimension_numbers = #tpu.dot_dimension_numbers<[1], [0], [0], [1], [0, 0, 1, 1], [], []>, transpose_lhs_hint = false} : vector<1x128xf32>, vector<128x128xf32>, vector<1x128xf32> -> vector<1x128xf32>
    %slice3A_803 = vector.extract_strided_slice %dot_general3A_56 {offsets = [4, 0], sizes = [1, 128], strides = [1, 1]} : vector<8x128xf32> to vector<1x128xf32>
    %add3A_804 = arith.addf %slice3A_803, %dot_general3A_802 : vector<1x128xf32>
    %neg3A_805 = arith.constant 0.000000e+00 : f32
    %neg3A_806 = vector.broadcast %neg3A_805 : f32 to vector<1x128xf32>
    %neg3A_807 = arith.subf %neg3A_806, %add3A_804 : vector<1x128xf32>
    %exp3A_808 = math.exp %neg3A_807 : vector<1x128xf32>
    %add3A_809 = arith.constant 1.000000e+00 : f32
    %add3A_810 = vector.broadcast %add3A_809 : f32 to vector<1x128xf32>
    %add3A_811 = arith.addf %add3A_810, %exp3A_808 : vector<1x128xf32>
    %div3A_812 = arith.constant 1.000000e+00 : f32
    %div3A_813 = vector.broadcast %div3A_812 : f32 to vector<1x128xf32>
    %div3A_814 = arith.divf %div3A_813, %add3A_811 : vector<1x128xf32>
    %mul3A_815 = vector.broadcast %div3A_814 : vector<1x128xf32> to vector<32x128xf32>
    %mul3A_816 = arith.mulf %mul3A_815, %add3A_457 : vector<32x128xf32>
    %sub3A_817 = arith.constant 1.000000e+00 : f32
    %sub3A_818 = vector.broadcast %sub3A_817 : f32 to vector<1x128xf32>
    %sub3A_819 = arith.subf %sub3A_818, %div3A_814 : vector<1x128xf32>
    %mul3A_820 = vector.broadcast %sub3A_819 : vector<1x128xf32> to vector<32x128xf32>
    %mul3A_821 = arith.mulf %mul3A_820, %add3A_792 : vector<32x128xf32>
    %add3A_822 = arith.addf %mul3A_816, %mul3A_821 : vector<32x128xf32>
    %slice3A_823 = vector.extract_strided_slice %add3A_822 {offsets = [0, 0], sizes = [1, 128], strides = [1, 1]} : vector<32x128xf32> to vector<1x128xf32>
    %max3A_824 = arith.constant 0.000000e+00 : f32
    %max3A_825 = vector.broadcast %max3A_824 : f32 to vector<1x128xf32>
    %max3A_826 = arith.maximumf %slice3A_823, %max3A_825 : vector<1x128xf32>
    %slice3A_827 = vector.extract_strided_slice %add3A_822 {offsets = [0, 0], sizes = [1, 128], strides = [1, 1]} : vector<32x128xf32> to vector<1x128xf32>
    %get3A_828 = arith.constant 0 : index
    %get3A_829 = arith.constant 0 : index
    %get3A_830 = vector.load %arg8[%get3A_828, %get3A_829] : memref<128x128xf32, #tpu.memory_space<vmem>>, vector<128x128xf32>
    %dot_general3A_831 = arith.constant dense<0.000000e+00> : vector<1x128xf32>
    %dot_general3A_832 = tpu.matmul %slice3A_827, %get3A_830, %dot_general3A_831 {dimension_numbers = #tpu.dot_dimension_numbers<[1], [0], [0], [1], [0, 0, 1, 1], [], []>, transpose_lhs_hint = false} : vector<1x128xf32>, vector<128x128xf32>, vector<1x128xf32> -> vector<1x128xf32>
    %slice3A_833 = vector.extract_strided_slice %dot_general3A_56 {offsets = [5, 0], sizes = [1, 128], strides = [1, 1]} : vector<8x128xf32> to vector<1x128xf32>
    %add3A_834 = arith.addf %slice3A_833, %dot_general3A_832 : vector<1x128xf32>
    %neg3A_835 = arith.constant 0.000000e+00 : f32
    %neg3A_836 = vector.broadcast %neg3A_835 : f32 to vector<1x128xf32>
    %neg3A_837 = arith.subf %neg3A_836, %add3A_834 : vector<1x128xf32>
    %exp3A_838 = math.exp %neg3A_837 : vector<1x128xf32>
    %add3A_839 = arith.constant 1.000000e+00 : f32
    %add3A_840 = vector.broadcast %add3A_839 : f32 to vector<1x128xf32>
    %add3A_841 = arith.addf %add3A_840, %exp3A_838 : vector<1x128xf32>
    %div3A_842 = arith.constant 1.000000e+00 : f32
    %div3A_843 = vector.broadcast %div3A_842 : f32 to vector<1x128xf32>
    %div3A_844 = arith.divf %div3A_843, %add3A_841 : vector<1x128xf32>
    %mul3A_845 = vector.broadcast %div3A_844 : vector<1x128xf32> to vector<32x128xf32>
    %mul3A_846 = arith.mulf %mul3A_845, %add3A_531 : vector<32x128xf32>
    %sub3A_847 = arith.constant 1.000000e+00 : f32
    %sub3A_848 = vector.broadcast %sub3A_847 : f32 to vector<1x128xf32>
    %sub3A_849 = arith.subf %sub3A_848, %div3A_844 : vector<1x128xf32>
    %mul3A_850 = vector.broadcast %sub3A_849 : vector<1x128xf32> to vector<32x128xf32>
    %mul3A_851 = arith.mulf %mul3A_850, %add3A_822 : vector<32x128xf32>
    %add3A_852 = arith.addf %mul3A_846, %mul3A_851 : vector<32x128xf32>
    %slice3A_853 = vector.extract_strided_slice %add3A_852 {offsets = [0, 0], sizes = [1, 128], strides = [1, 1]} : vector<32x128xf32> to vector<1x128xf32>
    %max3A_854 = arith.constant 0.000000e+00 : f32
    %max3A_855 = vector.broadcast %max3A_854 : f32 to vector<1x128xf32>
    %max3A_856 = arith.maximumf %slice3A_853, %max3A_855 : vector<1x128xf32>
    %slice3A_857 = vector.extract_strided_slice %add3A_852 {offsets = [0, 0], sizes = [1, 128], strides = [1, 1]} : vector<32x128xf32> to vector<1x128xf32>
    %get3A_858 = arith.constant 0 : index
    %get3A_859 = arith.constant 0 : index
    %get3A_860 = vector.load %arg8[%get3A_858, %get3A_859] : memref<128x128xf32, #tpu.memory_space<vmem>>, vector<128x128xf32>
    %dot_general3A_861 = arith.constant dense<0.000000e+00> : vector<1x128xf32>
    %dot_general3A_862 = tpu.matmul %slice3A_857, %get3A_860, %dot_general3A_861 {dimension_numbers = #tpu.dot_dimension_numbers<[1], [0], [0], [1], [0, 0, 1, 1], [], []>, transpose_lhs_hint = false} : vector<1x128xf32>, vector<128x128xf32>, vector<1x128xf32> -> vector<1x128xf32>
    %slice3A_863 = vector.extract_strided_slice %dot_general3A_56 {offsets = [6, 0], sizes = [1, 128], strides = [1, 1]} : vector<8x128xf32> to vector<1x128xf32>
    %add3A_864 = arith.addf %slice3A_863, %dot_general3A_862 : vector<1x128xf32>
    %neg3A_865 = arith.constant 0.000000e+00 : f32
    %neg3A_866 = vector.broadcast %neg3A_865 : f32 to vector<1x128xf32>
    %neg3A_867 = arith.subf %neg3A_866, %add3A_864 : vector<1x128xf32>
    %exp3A_868 = math.exp %neg3A_867 : vector<1x128xf32>
    %add3A_869 = arith.constant 1.000000e+00 : f32
    %add3A_870 = vector.broadcast %add3A_869 : f32 to vector<1x128xf32>
    %add3A_871 = arith.addf %add3A_870, %exp3A_868 : vector<1x128xf32>
    %div3A_872 = arith.constant 1.000000e+00 : f32
    %div3A_873 = vector.broadcast %div3A_872 : f32 to vector<1x128xf32>
    %div3A_874 = arith.divf %div3A_873, %add3A_871 : vector<1x128xf32>
    %mul3A_875 = vector.broadcast %div3A_874 : vector<1x128xf32> to vector<32x128xf32>
    %mul3A_876 = arith.mulf %mul3A_875, %add3A_605 : vector<32x128xf32>
    %sub3A_877 = arith.constant 1.000000e+00 : f32
    %sub3A_878 = vector.broadcast %sub3A_877 : f32 to vector<1x128xf32>
    %sub3A_879 = arith.subf %sub3A_878, %div3A_874 : vector<1x128xf32>
    %mul3A_880 = vector.broadcast %sub3A_879 : vector<1x128xf32> to vector<32x128xf32>
    %mul3A_881 = arith.mulf %mul3A_880, %add3A_852 : vector<32x128xf32>
    %add3A_882 = arith.addf %mul3A_876, %mul3A_881 : vector<32x128xf32>
    %slice3A_883 = vector.extract_strided_slice %add3A_882 {offsets = [0, 0], sizes = [1, 128], strides = [1, 1]} : vector<32x128xf32> to vector<1x128xf32>
    %max3A_884 = arith.constant 0.000000e+00 : f32
    %max3A_885 = vector.broadcast %max3A_884 : f32 to vector<1x128xf32>
    %max3A_886 = arith.maximumf %slice3A_883, %max3A_885 : vector<1x128xf32>
    %slice3A_887 = vector.extract_strided_slice %add3A_882 {offsets = [0, 0], sizes = [1, 128], strides = [1, 1]} : vector<32x128xf32> to vector<1x128xf32>
    %get3A_888 = arith.constant 0 : index
    %get3A_889 = arith.constant 0 : index
    %get3A_890 = vector.load %arg8[%get3A_888, %get3A_889] : memref<128x128xf32, #tpu.memory_space<vmem>>, vector<128x128xf32>
    %dot_general3A_891 = arith.constant dense<0.000000e+00> : vector<1x128xf32>
    %dot_general3A_892 = tpu.matmul %slice3A_887, %get3A_890, %dot_general3A_891 {dimension_numbers = #tpu.dot_dimension_numbers<[1], [0], [0], [1], [0, 0, 1, 1], [], []>, transpose_lhs_hint = false} : vector<1x128xf32>, vector<128x128xf32>, vector<1x128xf32> -> vector<1x128xf32>
    %slice3A_893 = vector.extract_strided_slice %dot_general3A_56 {offsets = [7, 0], sizes = [1, 128], strides = [1, 1]} : vector<8x128xf32> to vector<1x128xf32>
    %add3A_894 = arith.addf %slice3A_893, %dot_general3A_892 : vector<1x128xf32>
    %neg3A_895 = arith.constant 0.000000e+00 : f32
    %neg3A_896 = vector.broadcast %neg3A_895 : f32 to vector<1x128xf32>
    %neg3A_897 = arith.subf %neg3A_896, %add3A_894 : vector<1x128xf32>
    %exp3A_898 = math.exp %neg3A_897 : vector<1x128xf32>
    %add3A_899 = arith.constant 1.000000e+00 : f32
    %add3A_900 = vector.broadcast %add3A_899 : f32 to vector<1x128xf32>
    %add3A_901 = arith.addf %add3A_900, %exp3A_898 : vector<1x128xf32>
    %div3A_902 = arith.constant 1.000000e+00 : f32
    %div3A_903 = vector.broadcast %div3A_902 : f32 to vector<1x128xf32>
    %div3A_904 = arith.divf %div3A_903, %add3A_901 : vector<1x128xf32>
    %mul3A_905 = vector.broadcast %div3A_904 : vector<1x128xf32> to vector<32x128xf32>
    %mul3A_906 = arith.mulf %mul3A_905, %add3A_679 : vector<32x128xf32>
    %sub3A_907 = arith.constant 1.000000e+00 : f32
    %sub3A_908 = vector.broadcast %sub3A_907 : f32 to vector<1x128xf32>
    %sub3A_909 = arith.subf %sub3A_908, %div3A_904 : vector<1x128xf32>
    %mul3A_910 = vector.broadcast %sub3A_909 : vector<1x128xf32> to vector<32x128xf32>
    %mul3A_911 = arith.mulf %mul3A_910, %add3A_882 : vector<32x128xf32>
    %add3A_912 = arith.addf %mul3A_906, %mul3A_911 : vector<32x128xf32>
    %slice3A_913 = vector.extract_strided_slice %add3A_912 {offsets = [0, 0], sizes = [1, 128], strides = [1, 1]} : vector<32x128xf32> to vector<1x128xf32>
    %max3A_914 = arith.constant 0.000000e+00 : f32
    %max3A_915 = vector.broadcast %max3A_914 : f32 to vector<1x128xf32>
    %max3A_916 = arith.maximumf %slice3A_913, %max3A_915 : vector<1x128xf32>
    %concatenate3A_917 = tpu.concatenate %max3A_706, %max3A_736, %max3A_766, %max3A_796, %max3A_826, %max3A_856, %max3A_886, %max3A_916 in 0 : vector<1x128xf32>, vector<1x128xf32>, vector<1x128xf32>, vector<1x128xf32>, vector<1x128xf32>, vector<1x128xf32>, vector<1x128xf32>, vector<1x128xf32> -> vector<8x128xf32>
    %broadcast_in_dim3A_918 = arith.constant -1.000000e+30 : f32
    %broadcast_in_dim3A_919 = vector.broadcast %broadcast_in_dim3A_918 : f32 to vector<8x1xf32>
    %broadcast_in_dim3A_920 = arith.constant 0.000000e+00 : f32
    %broadcast_in_dim3A_921 = vector.broadcast %broadcast_in_dim3A_920 : f32 to vector<8x1xf32>
    %dma_wait3A = arith.constant 0 : i32
    %dma_wait3A_922 = tpu.memref_slice %arg21[%dma_wait3A] : memref<8x!tpu.dma_semaphore, #tpu.memory_space<semaphore_mem>> -> memref<1x!tpu.dma_semaphore, #tpu.memory_space<semaphore_mem>>
    %dma_wait3A_923 = tpu.memref_squeeze %dma_wait3A_922 : memref<1x!tpu.dma_semaphore, #tpu.memory_space<semaphore_mem>> -> memref<!tpu.dma_semaphore, #tpu.memory_space<semaphore_mem>>
    %dma_wait3A_924 = arith.constant 0 : i32
    %dma_wait3A_925 = arith.constant 0 : i32
    %dma_wait3A_926 = tpu.memref_slice %arg10[%dma_wait3A_924, %dma_wait3A_925] : memref<50000x128xf32, #tpu.memory_space<any>> -> memref<6272x128xf32, #tpu.memory_space<any>>
    tpu.wait_dma2 semaphore(%dma_wait3A_923 : memref<!tpu.dma_semaphore, #tpu.memory_space<semaphore_mem>>) src(%dma_wait3A_926 : memref<6272x128xf32, #tpu.memory_space<any>>) dst(%arg13 : memref<6272x128xf32, #tpu.memory_space<vmem>>)
    %get3A_927 = arith.constant 0 : index
    %get3A_928 = arith.constant 0 : index
    %get3A_929 = vector.load %arg13[%get3A_927, %get3A_928] : memref<6272x128xf32, #tpu.memory_space<vmem>>, vector<6272x128xf32>
    %dot_general3A_930 = arith.constant dense<0.000000e+00> : vector<8x6272xf32>
    %dot_general3A_931 = tpu.matmul %concatenate3A_917, %get3A_929, %dot_general3A_930 {dimension_numbers = #tpu.dot_dimension_numbers<[1], [1], [0], [0], [0, 0, 1, 0], [], []>, transpose_lhs_hint = false} : vector<8x128xf32>, vector<6272x128xf32>, vector<8x6272xf32> -> vector<8x6272xf32>
    %get3A_932 = arith.constant 0 : index
    %get3A_933 = arith.constant 0 : index
    %get3A_934 = vector.load %arg9[%get3A_932, %get3A_933] : memref<1x50000xf32, #tpu.memory_space<vmem>>, vector<1x6272xf32>
    %add3A_935 = vector.broadcast %get3A_934 : vector<1x6272xf32> to vector<8x6272xf32>
    %add3A_936 = arith.addf %dot_general3A_931, %add3A_935 : vector<8x6272xf32>
    %swap3A = arith.constant 0 : index
    %swap3A_937 = arith.constant 0 : index
    %swap3A_938 = vector.load %arg11[%swap3A, %swap3A_937] : memref<8x50000xf32, #tpu.memory_space<vmem>>, vector<8x6272xf32>
    tpu.vector_store %arg11[%swap3A, %swap3A_937], %add3A_936 {strides = array<i32>} : memref<8x50000xf32, #tpu.memory_space<vmem>>, vector<8x6272xf32>,
    %reduce_max3A = arith.constant dense<0xFF800000> : vector<8xf32>
    %reduce_max3A_939 = vector.multi_reduction <maximumf>, %add3A_936, %reduce_max3A [1] : vector<8x6272xf32> to vector<8xf32>
    %broadcast_in_dim3A_940 = vector.shape_cast %reduce_max3A_939 : vector<8xf32> to vector<8x1xf32>
    %max3A_941 = arith.maximumf %broadcast_in_dim3A_919, %broadcast_in_dim3A_940 : vector<8x1xf32>
    %sub3A_942 = arith.subf %broadcast_in_dim3A_919, %max3A_941 : vector<8x1xf32>
    %exp3A_943 = math.exp %sub3A_942 : vector<8x1xf32>
    %mul3A_944 = arith.mulf %broadcast_in_dim3A_921, %exp3A_943 : vector<8x1xf32>
    %sub3A_945 = vector.broadcast %max3A_941 : vector<8x1xf32> to vector<8x6272xf32>
    %sub3A_946 = arith.subf %add3A_936, %sub3A_945 : vector<8x6272xf32>
    %exp3A_947 = math.exp %sub3A_946 : vector<8x6272xf32>
    %reduce_sum3A = arith.constant dense<0.000000e+00> : vector<8xf32>
    %reduce_sum3A_948 = vector.multi_reduction <add>, %exp3A_947, %reduce_sum3A [1] : vector<8x6272xf32> to vector<8xf32>
    %broadcast_in_dim3A_949 = vector.shape_cast %reduce_sum3A_948 : vector<8xf32> to vector<8x1xf32>
    %add3A_950 = arith.addf %mul3A_944, %broadcast_in_dim3A_949 : vector<8x1xf32>
    %dma_wait3A_951 = arith.constant 1 : i32
    %dma_wait3A_952 = tpu.memref_slice %arg21[%dma_wait3A_951] : memref<8x!tpu.dma_semaphore, #tpu.memory_space<semaphore_mem>> -> memref<1x!tpu.dma_semaphore, #tpu.memory_space<semaphore_mem>>
    %dma_wait3A_953 = tpu.memref_squeeze %dma_wait3A_952 : memref<1x!tpu.dma_semaphore, #tpu.memory_space<semaphore_mem>> -> memref<!tpu.dma_semaphore, #tpu.memory_space<semaphore_mem>>
    %dma_wait3A_954 = arith.constant 6272 : i32
    %dma_wait3A_955 = arith.constant 0 : i32
    %dma_wait3A_956 = tpu.memref_slice %arg10[%dma_wait3A_954, %dma_wait3A_955] : memref<50000x128xf32, #tpu.memory_space<any>> -> memref<6272x128xf32, #tpu.memory_space<any>>
    tpu.wait_dma2 semaphore(%dma_wait3A_953 : memref<!tpu.dma_semaphore, #tpu.memory_space<semaphore_mem>>) src(%dma_wait3A_956 : memref<6272x128xf32, #tpu.memory_space<any>>) dst(%arg14 : memref<6272x128xf32, #tpu.memory_space<vmem>>)
    %get3A_957 = arith.constant 0 : index
    %get3A_958 = arith.constant 0 : index
    %get3A_959 = vector.load %arg14[%get3A_957, %get3A_958] : memref<6272x128xf32, #tpu.memory_space<vmem>>, vector<6272x128xf32>
    %dot_general3A_960 = arith.constant dense<0.000000e+00> : vector<8x6272xf32>
    %dot_general3A_961 = tpu.matmul %concatenate3A_917, %get3A_959, %dot_general3A_960 {dimension_numbers = #tpu.dot_dimension_numbers<[1], [1], [0], [0], [0, 0, 1, 0], [], []>, transpose_lhs_hint = false} : vector<8x128xf32>, vector<6272x128xf32>, vector<8x6272xf32> -> vector<8x6272xf32>
    %get3A_962 = arith.constant 0 : index
    %get3A_963 = arith.constant 6272 : index
    %get3A_964 = vector.load %arg9[%get3A_962, %get3A_963] : memref<1x50000xf32, #tpu.memory_space<vmem>>, vector<1x6272xf32>
    %add3A_965 = vector.broadcast %get3A_964 : vector<1x6272xf32> to vector<8x6272xf32>
    %add3A_966 = arith.addf %dot_general3A_961, %add3A_965 : vector<8x6272xf32>
    %swap3A_967 = arith.constant 0 : index
    %swap3A_968 = arith.constant 6272 : index
    %swap3A_969 = vector.load %arg11[%swap3A_967, %swap3A_968] : memref<8x50000xf32, #tpu.memory_space<vmem>>, vector<8x6272xf32>
    tpu.vector_store %arg11[%swap3A_967, %swap3A_968], %add3A_966 {strides = array<i32>} : memref<8x50000xf32, #tpu.memory_space<vmem>>, vector<8x6272xf32>,
    %reduce_max3A_970 = arith.constant dense<0xFF800000> : vector<8xf32>
    %reduce_max3A_971 = vector.multi_reduction <maximumf>, %add3A_966, %reduce_max3A_970 [1] : vector<8x6272xf32> to vector<8xf32>
    %broadcast_in_dim3A_972 = vector.shape_cast %reduce_max3A_971 : vector<8xf32> to vector<8x1xf32>
    %max3A_973 = arith.maximumf %max3A_941, %broadcast_in_dim3A_972 : vector<8x1xf32>
    %sub3A_974 = arith.subf %max3A_941, %max3A_973 : vector<8x1xf32>
    %exp3A_975 = math.exp %sub3A_974 : vector<8x1xf32>
    %mul3A_976 = arith.mulf %add3A_950, %exp3A_975 : vector<8x1xf32>
    %sub3A_977 = vector.broadcast %max3A_973 : vector<8x1xf32> to vector<8x6272xf32>
    %sub3A_978 = arith.subf %add3A_966, %sub3A_977 : vector<8x6272xf32>
    %exp3A_979 = math.exp %sub3A_978 : vector<8x6272xf32>
    %reduce_sum3A_980 = arith.constant dense<0.000000e+00> : vector<8xf32>
    %reduce_sum3A_981 = vector.multi_reduction <add>, %exp3A_979, %reduce_sum3A_980 [1] : vector<8x6272xf32> to vector<8xf32>
    %broadcast_in_dim3A_982 = vector.shape_cast %reduce_sum3A_981 : vector<8xf32> to vector<8x1xf32>
    %add3A_983 = arith.addf %mul3A_976, %broadcast_in_dim3A_982 : vector<8x1xf32>
    %dma_wait3A_984 = arith.constant 2 : i32
    %dma_wait3A_985 = tpu.memref_slice %arg21[%dma_wait3A_984] : memref<8x!tpu.dma_semaphore, #tpu.memory_space<semaphore_mem>> -> memref<1x!tpu.dma_semaphore, #tpu.memory_space<semaphore_mem>>
    %dma_wait3A_986 = tpu.memref_squeeze %dma_wait3A_985 : memref<1x!tpu.dma_semaphore, #tpu.memory_space<semaphore_mem>> -> memref<!tpu.dma_semaphore, #tpu.memory_space<semaphore_mem>>
    %dma_wait3A_987 = arith.constant 12544 : i32
    %dma_wait3A_988 = arith.constant 0 : i32
    %dma_wait3A_989 = tpu.memref_slice %arg10[%dma_wait3A_987, %dma_wait3A_988] : memref<50000x128xf32, #tpu.memory_space<any>> -> memref<6272x128xf32, #tpu.memory_space<any>>
    tpu.wait_dma2 semaphore(%dma_wait3A_986 : memref<!tpu.dma_semaphore, #tpu.memory_space<semaphore_mem>>) src(%dma_wait3A_989 : memref<6272x128xf32, #tpu.memory_space<any>>) dst(%arg15 : memref<6272x128xf32, #tpu.memory_space<vmem>>)
    %get3A_990 = arith.constant 0 : index
    %get3A_991 = arith.constant 0 : index
    %get3A_992 = vector.load %arg15[%get3A_990, %get3A_991] : memref<6272x128xf32, #tpu.memory_space<vmem>>, vector<6272x128xf32>
    %dot_general3A_993 = arith.constant dense<0.000000e+00> : vector<8x6272xf32>
    %dot_general3A_994 = tpu.matmul %concatenate3A_917, %get3A_992, %dot_general3A_993 {dimension_numbers = #tpu.dot_dimension_numbers<[1], [1], [0], [0], [0, 0, 1, 0], [], []>, transpose_lhs_hint = false} : vector<8x128xf32>, vector<6272x128xf32>, vector<8x6272xf32> -> vector<8x6272xf32>
    %get3A_995 = arith.constant 0 : index
    %get3A_996 = arith.constant 12544 : index
    %get3A_997 = vector.load %arg9[%get3A_995, %get3A_996] : memref<1x50000xf32, #tpu.memory_space<vmem>>, vector<1x6272xf32>
    %add3A_998 = vector.broadcast %get3A_997 : vector<1x6272xf32> to vector<8x6272xf32>
    %add3A_999 = arith.addf %dot_general3A_994, %add3A_998 : vector<8x6272xf32>
    %swap3A_1000 = arith.constant 0 : index
    %swap3A_1001 = arith.constant 12544 : index
    %swap3A_1002 = vector.load %arg11[%swap3A_1000, %swap3A_1001] : memref<8x50000xf32, #tpu.memory_space<vmem>>, vector<8x6272xf32>
    tpu.vector_store %arg11[%swap3A_1000, %swap3A_1001], %add3A_999 {strides = array<i32>} : memref<8x50000xf32, #tpu.memory_space<vmem>>, vector<8x6272xf32>,
    %reduce_max3A_1003 = arith.constant dense<0xFF800000> : vector<8xf32>
    %reduce_max3A_1004 = vector.multi_reduction <maximumf>, %add3A_999, %reduce_max3A_1003 [1] : vector<8x6272xf32> to vector<8xf32>
    %broadcast_in_dim3A_1005 = vector.shape_cast %reduce_max3A_1004 : vector<8xf32> to vector<8x1xf32>
    %max3A_1006 = arith.maximumf %max3A_973, %broadcast_in_dim3A_1005 : vector<8x1xf32>
    %sub3A_1007 = arith.subf %max3A_973, %max3A_1006 : vector<8x1xf32>
    %exp3A_1008 = math.exp %sub3A_1007 : vector<8x1xf32>
    %mul3A_1009 = arith.mulf %add3A_983, %exp3A_1008 : vector<8x1xf32>
    %sub3A_1010 = vector.broadcast %max3A_1006 : vector<8x1xf32> to vector<8x6272xf32>
    %sub3A_1011 = arith.subf %add3A_999, %sub3A_1010 : vector<8x6272xf32>
    %exp3A_1012 = math.exp %sub3A_1011 : vector<8x6272xf32>
    %reduce_sum3A_1013 = arith.constant dense<0.000000e+00> : vector<8xf32>
    %reduce_sum3A_1014 = vector.multi_reduction <add>, %exp3A_1012, %reduce_sum3A_1013 [1] : vector<8x6272xf32> to vector<8xf32>
    %broadcast_in_dim3A_1015 = vector.shape_cast %reduce_sum3A_1014 : vector<8xf32> to vector<8x1xf32>
    %add3A_1016 = arith.addf %mul3A_1009, %broadcast_in_dim3A_1015 : vector<8x1xf32>
    %dma_wait3A_1017 = arith.constant 3 : i32
    %dma_wait3A_1018 = tpu.memref_slice %arg21[%dma_wait3A_1017] : memref<8x!tpu.dma_semaphore, #tpu.memory_space<semaphore_mem>> -> memref<1x!tpu.dma_semaphore, #tpu.memory_space<semaphore_mem>>
    %dma_wait3A_1019 = tpu.memref_squeeze %dma_wait3A_1018 : memref<1x!tpu.dma_semaphore, #tpu.memory_space<semaphore_mem>> -> memref<!tpu.dma_semaphore, #tpu.memory_space<semaphore_mem>>
    %dma_wait3A_1020 = arith.constant 18816 : i32
    %dma_wait3A_1021 = arith.constant 0 : i32
    %dma_wait3A_1022 = tpu.memref_slice %arg10[%dma_wait3A_1020, %dma_wait3A_1021] : memref<50000x128xf32, #tpu.memory_space<any>> -> memref<6272x128xf32, #tpu.memory_space<any>>
    tpu.wait_dma2 semaphore(%dma_wait3A_1019 : memref<!tpu.dma_semaphore, #tpu.memory_space<semaphore_mem>>) src(%dma_wait3A_1022 : memref<6272x128xf32, #tpu.memory_space<any>>) dst(%arg16 : memref<6272x128xf32, #tpu.memory_space<vmem>>)
    %get3A_1023 = arith.constant 0 : index
    %get3A_1024 = arith.constant 0 : index
    %get3A_1025 = vector.load %arg16[%get3A_1023, %get3A_1024] : memref<6272x128xf32, #tpu.memory_space<vmem>>, vector<6272x128xf32>
    %dot_general3A_1026 = arith.constant dense<0.000000e+00> : vector<8x6272xf32>
    %dot_general3A_1027 = tpu.matmul %concatenate3A_917, %get3A_1025, %dot_general3A_1026 {dimension_numbers = #tpu.dot_dimension_numbers<[1], [1], [0], [0], [0, 0, 1, 0], [], []>, transpose_lhs_hint = false} : vector<8x128xf32>, vector<6272x128xf32>, vector<8x6272xf32> -> vector<8x6272xf32>
    %get3A_1028 = arith.constant 0 : index
    %get3A_1029 = arith.constant 18816 : index
    %get3A_1030 = vector.load %arg9[%get3A_1028, %get3A_1029] : memref<1x50000xf32, #tpu.memory_space<vmem>>, vector<1x6272xf32>
    %add3A_1031 = vector.broadcast %get3A_1030 : vector<1x6272xf32> to vector<8x6272xf32>
    %add3A_1032 = arith.addf %dot_general3A_1027, %add3A_1031 : vector<8x6272xf32>
    %swap3A_1033 = arith.constant 0 : index
    %swap3A_1034 = arith.constant 18816 : index
    %swap3A_1035 = vector.load %arg11[%swap3A_1033, %swap3A_1034] : memref<8x50000xf32, #tpu.memory_space<vmem>>, vector<8x6272xf32>
    tpu.vector_store %arg11[%swap3A_1033, %swap3A_1034], %add3A_1032 {strides = array<i32>} : memref<8x50000xf32, #tpu.memory_space<vmem>>, vector<8x6272xf32>,
    %reduce_max3A_1036 = arith.constant dense<0xFF800000> : vector<8xf32>
    %reduce_max3A_1037 = vector.multi_reduction <maximumf>, %add3A_1032, %reduce_max3A_1036 [1] : vector<8x6272xf32> to vector<8xf32>
    %broadcast_in_dim3A_1038 = vector.shape_cast %reduce_max3A_1037 : vector<8xf32> to vector<8x1xf32>
    %max3A_1039 = arith.maximumf %max3A_1006, %broadcast_in_dim3A_1038 : vector<8x1xf32>
    %sub3A_1040 = arith.subf %max3A_1006, %max3A_1039 : vector<8x1xf32>
    %exp3A_1041 = math.exp %sub3A_1040 : vector<8x1xf32>
    %mul3A_1042 = arith.mulf %add3A_1016, %exp3A_1041 : vector<8x1xf32>
    %sub3A_1043 = vector.broadcast %max3A_1039 : vector<8x1xf32> to vector<8x6272xf32>
    %sub3A_1044 = arith.subf %add3A_1032, %sub3A_1043 : vector<8x6272xf32>
    %exp3A_1045 = math.exp %sub3A_1044 : vector<8x6272xf32>
    %reduce_sum3A_1046 = arith.constant dense<0.000000e+00> : vector<8xf32>
    %reduce_sum3A_1047 = vector.multi_reduction <add>, %exp3A_1045, %reduce_sum3A_1046 [1] : vector<8x6272xf32> to vector<8xf32>
    %broadcast_in_dim3A_1048 = vector.shape_cast %reduce_sum3A_1047 : vector<8xf32> to vector<8x1xf32>
    %add3A_1049 = arith.addf %mul3A_1042, %broadcast_in_dim3A_1048 : vector<8x1xf32>
    %dma_wait3A_1050 = arith.constant 4 : i32
    %dma_wait3A_1051 = tpu.memref_slice %arg21[%dma_wait3A_1050] : memref<8x!tpu.dma_semaphore, #tpu.memory_space<semaphore_mem>> -> memref<1x!tpu.dma_semaphore, #tpu.memory_space<semaphore_mem>>
    %dma_wait3A_1052 = tpu.memref_squeeze %dma_wait3A_1051 : memref<1x!tpu.dma_semaphore, #tpu.memory_space<semaphore_mem>> -> memref<!tpu.dma_semaphore, #tpu.memory_space<semaphore_mem>>
    %dma_wait3A_1053 = arith.constant 25088 : i32
    %dma_wait3A_1054 = arith.constant 0 : i32
    %dma_wait3A_1055 = tpu.memref_slice %arg10[%dma_wait3A_1053, %dma_wait3A_1054] : memref<50000x128xf32, #tpu.memory_space<any>> -> memref<6272x128xf32, #tpu.memory_space<any>>
    tpu.wait_dma2 semaphore(%dma_wait3A_1052 : memref<!tpu.dma_semaphore, #tpu.memory_space<semaphore_mem>>) src(%dma_wait3A_1055 : memref<6272x128xf32, #tpu.memory_space<any>>) dst(%arg17 : memref<6272x128xf32, #tpu.memory_space<vmem>>)
    %get3A_1056 = arith.constant 0 : index
    %get3A_1057 = arith.constant 0 : index
    %get3A_1058 = vector.load %arg17[%get3A_1056, %get3A_1057] : memref<6272x128xf32, #tpu.memory_space<vmem>>, vector<6272x128xf32>
    %dot_general3A_1059 = arith.constant dense<0.000000e+00> : vector<8x6272xf32>
    %dot_general3A_1060 = tpu.matmul %concatenate3A_917, %get3A_1058, %dot_general3A_1059 {dimension_numbers = #tpu.dot_dimension_numbers<[1], [1], [0], [0], [0, 0, 1, 0], [], []>, transpose_lhs_hint = false} : vector<8x128xf32>, vector<6272x128xf32>, vector<8x6272xf32> -> vector<8x6272xf32>
    %get3A_1061 = arith.constant 0 : index
    %get3A_1062 = arith.constant 25088 : index
    %get3A_1063 = vector.load %arg9[%get3A_1061, %get3A_1062] : memref<1x50000xf32, #tpu.memory_space<vmem>>, vector<1x6272xf32>
    %add3A_1064 = vector.broadcast %get3A_1063 : vector<1x6272xf32> to vector<8x6272xf32>
    %add3A_1065 = arith.addf %dot_general3A_1060, %add3A_1064 : vector<8x6272xf32>
    %swap3A_1066 = arith.constant 0 : index
    %swap3A_1067 = arith.constant 25088 : index
    %swap3A_1068 = vector.load %arg11[%swap3A_1066, %swap3A_1067] : memref<8x50000xf32, #tpu.memory_space<vmem>>, vector<8x6272xf32>
    tpu.vector_store %arg11[%swap3A_1066, %swap3A_1067], %add3A_1065 {strides = array<i32>} : memref<8x50000xf32, #tpu.memory_space<vmem>>, vector<8x6272xf32>,
    %reduce_max3A_1069 = arith.constant dense<0xFF800000> : vector<8xf32>
    %reduce_max3A_1070 = vector.multi_reduction <maximumf>, %add3A_1065, %reduce_max3A_1069 [1] : vector<8x6272xf32> to vector<8xf32>
    %broadcast_in_dim3A_1071 = vector.shape_cast %reduce_max3A_1070 : vector<8xf32> to vector<8x1xf32>
    %max3A_1072 = arith.maximumf %max3A_1039, %broadcast_in_dim3A_1071 : vector<8x1xf32>
    %sub3A_1073 = arith.subf %max3A_1039, %max3A_1072 : vector<8x1xf32>
    %exp3A_1074 = math.exp %sub3A_1073 : vector<8x1xf32>
    %mul3A_1075 = arith.mulf %add3A_1049, %exp3A_1074 : vector<8x1xf32>
    %sub3A_1076 = vector.broadcast %max3A_1072 : vector<8x1xf32> to vector<8x6272xf32>
    %sub3A_1077 = arith.subf %add3A_1065, %sub3A_1076 : vector<8x6272xf32>
    %exp3A_1078 = math.exp %sub3A_1077 : vector<8x6272xf32>
    %reduce_sum3A_1079 = arith.constant dense<0.000000e+00> : vector<8xf32>
    %reduce_sum3A_1080 = vector.multi_reduction <add>, %exp3A_1078, %reduce_sum3A_1079 [1] : vector<8x6272xf32> to vector<8xf32>
    %broadcast_in_dim3A_1081 = vector.shape_cast %reduce_sum3A_1080 : vector<8xf32> to vector<8x1xf32>
    %add3A_1082 = arith.addf %mul3A_1075, %broadcast_in_dim3A_1081 : vector<8x1xf32>
    %dma_wait3A_1083 = arith.constant 5 : i32
    %dma_wait3A_1084 = tpu.memref_slice %arg21[%dma_wait3A_1083] : memref<8x!tpu.dma_semaphore, #tpu.memory_space<semaphore_mem>> -> memref<1x!tpu.dma_semaphore, #tpu.memory_space<semaphore_mem>>
    %dma_wait3A_1085 = tpu.memref_squeeze %dma_wait3A_1084 : memref<1x!tpu.dma_semaphore, #tpu.memory_space<semaphore_mem>> -> memref<!tpu.dma_semaphore, #tpu.memory_space<semaphore_mem>>
    %dma_wait3A_1086 = arith.constant 31360 : i32
    %dma_wait3A_1087 = arith.constant 0 : i32
    %dma_wait3A_1088 = tpu.memref_slice %arg10[%dma_wait3A_1086, %dma_wait3A_1087] : memref<50000x128xf32, #tpu.memory_space<any>> -> memref<6272x128xf32, #tpu.memory_space<any>>
    tpu.wait_dma2 semaphore(%dma_wait3A_1085 : memref<!tpu.dma_semaphore, #tpu.memory_space<semaphore_mem>>) src(%dma_wait3A_1088 : memref<6272x128xf32, #tpu.memory_space<any>>) dst(%arg18 : memref<6272x128xf32, #tpu.memory_space<vmem>>)
    %get3A_1089 = arith.constant 0 : index
    %get3A_1090 = arith.constant 0 : index
    %get3A_1091 = vector.load %arg18[%get3A_1089, %get3A_1090] : memref<6272x128xf32, #tpu.memory_space<vmem>>, vector<6272x128xf32>
    %dot_general3A_1092 = arith.constant dense<0.000000e+00> : vector<8x6272xf32>
    %dot_general3A_1093 = tpu.matmul %concatenate3A_917, %get3A_1091, %dot_general3A_1092 {dimension_numbers = #tpu.dot_dimension_numbers<[1], [1], [0], [0], [0, 0, 1, 0], [], []>, transpose_lhs_hint = false} : vector<8x128xf32>, vector<6272x128xf32>, vector<8x6272xf32> -> vector<8x6272xf32>
    %get3A_1094 = arith.constant 0 : index
    %get3A_1095 = arith.constant 31360 : index
    %get3A_1096 = vector.load %arg9[%get3A_1094, %get3A_1095] : memref<1x50000xf32, #tpu.memory_space<vmem>>, vector<1x6272xf32>
    %add3A_1097 = vector.broadcast %get3A_1096 : vector<1x6272xf32> to vector<8x6272xf32>
    %add3A_1098 = arith.addf %dot_general3A_1093, %add3A_1097 : vector<8x6272xf32>
    %swap3A_1099 = arith.constant 0 : index
    %swap3A_1100 = arith.constant 31360 : index
    %swap3A_1101 = vector.load %arg11[%swap3A_1099, %swap3A_1100] : memref<8x50000xf32, #tpu.memory_space<vmem>>, vector<8x6272xf32>
    tpu.vector_store %arg11[%swap3A_1099, %swap3A_1100], %add3A_1098 {strides = array<i32>} : memref<8x50000xf32, #tpu.memory_space<vmem>>, vector<8x6272xf32>,
    %reduce_max3A_1102 = arith.constant dense<0xFF800000> : vector<8xf32>
    %reduce_max3A_1103 = vector.multi_reduction <maximumf>, %add3A_1098, %reduce_max3A_1102 [1] : vector<8x6272xf32> to vector<8xf32>
    %broadcast_in_dim3A_1104 = vector.shape_cast %reduce_max3A_1103 : vector<8xf32> to vector<8x1xf32>
    %max3A_1105 = arith.maximumf %max3A_1072, %broadcast_in_dim3A_1104 : vector<8x1xf32>
    %sub3A_1106 = arith.subf %max3A_1072, %max3A_1105 : vector<8x1xf32>
    %exp3A_1107 = math.exp %sub3A_1106 : vector<8x1xf32>
    %mul3A_1108 = arith.mulf %add3A_1082, %exp3A_1107 : vector<8x1xf32>
    %sub3A_1109 = vector.broadcast %max3A_1105 : vector<8x1xf32> to vector<8x6272xf32>
    %sub3A_1110 = arith.subf %add3A_1098, %sub3A_1109 : vector<8x6272xf32>
    %exp3A_1111 = math.exp %sub3A_1110 : vector<8x6272xf32>
    %reduce_sum3A_1112 = arith.constant dense<0.000000e+00> : vector<8xf32>
    %reduce_sum3A_1113 = vector.multi_reduction <add>, %exp3A_1111, %reduce_sum3A_1112 [1] : vector<8x6272xf32> to vector<8xf32>
    %broadcast_in_dim3A_1114 = vector.shape_cast %reduce_sum3A_1113 : vector<8xf32> to vector<8x1xf32>
    %add3A_1115 = arith.addf %mul3A_1108, %broadcast_in_dim3A_1114 : vector<8x1xf32>
    %dma_wait3A_1116 = arith.constant 6 : i32
    %dma_wait3A_1117 = tpu.memref_slice %arg21[%dma_wait3A_1116] : memref<8x!tpu.dma_semaphore, #tpu.memory_space<semaphore_mem>> -> memref<1x!tpu.dma_semaphore, #tpu.memory_space<semaphore_mem>>
    %dma_wait3A_1118 = tpu.memref_squeeze %dma_wait3A_1117 : memref<1x!tpu.dma_semaphore, #tpu.memory_space<semaphore_mem>> -> memref<!tpu.dma_semaphore, #tpu.memory_space<semaphore_mem>>
    %dma_wait3A_1119 = arith.constant 37632 : i32
    %dma_wait3A_1120 = arith.constant 0 : i32
    %dma_wait3A_1121 = tpu.memref_slice %arg10[%dma_wait3A_1119, %dma_wait3A_1120] : memref<50000x128xf32, #tpu.memory_space<any>> -> memref<6272x128xf32, #tpu.memory_space<any>>
    tpu.wait_dma2 semaphore(%dma_wait3A_1118 : memref<!tpu.dma_semaphore, #tpu.memory_space<semaphore_mem>>) src(%dma_wait3A_1121 : memref<6272x128xf32, #tpu.memory_space<any>>) dst(%arg19 : memref<6272x128xf32, #tpu.memory_space<vmem>>)
    %get3A_1122 = arith.constant 0 : index
    %get3A_1123 = arith.constant 0 : index
    %get3A_1124 = vector.load %arg19[%get3A_1122, %get3A_1123] : memref<6272x128xf32, #tpu.memory_space<vmem>>, vector<6272x128xf32>
    %dot_general3A_1125 = arith.constant dense<0.000000e+00> : vector<8x6272xf32>
    %dot_general3A_1126 = tpu.matmul %concatenate3A_917, %get3A_1124, %dot_general3A_1125 {dimension_numbers = #tpu.dot_dimension_numbers<[1], [1], [0], [0], [0, 0, 1, 0], [], []>, transpose_lhs_hint = false} : vector<8x128xf32>, vector<6272x128xf32>, vector<8x6272xf32> -> vector<8x6272xf32>
    %get3A_1127 = arith.constant 0 : index
    %get3A_1128 = arith.constant 37632 : index
    %get3A_1129 = vector.load %arg9[%get3A_1127, %get3A_1128] : memref<1x50000xf32, #tpu.memory_space<vmem>>, vector<1x6272xf32>
    %add3A_1130 = vector.broadcast %get3A_1129 : vector<1x6272xf32> to vector<8x6272xf32>
    %add3A_1131 = arith.addf %dot_general3A_1126, %add3A_1130 : vector<8x6272xf32>
    %swap3A_1132 = arith.constant 0 : index
    %swap3A_1133 = arith.constant 37632 : index
    %swap3A_1134 = vector.load %arg11[%swap3A_1132, %swap3A_1133] : memref<8x50000xf32, #tpu.memory_space<vmem>>, vector<8x6272xf32>
    tpu.vector_store %arg11[%swap3A_1132, %swap3A_1133], %add3A_1131 {strides = array<i32>} : memref<8x50000xf32, #tpu.memory_space<vmem>>, vector<8x6272xf32>,
    %reduce_max3A_1135 = arith.constant dense<0xFF800000> : vector<8xf32>
    %reduce_max3A_1136 = vector.multi_reduction <maximumf>, %add3A_1131, %reduce_max3A_1135 [1] : vector<8x6272xf32> to vector<8xf32>
    %broadcast_in_dim3A_1137 = vector.shape_cast %reduce_max3A_1136 : vector<8xf32> to vector<8x1xf32>
    %max3A_1138 = arith.maximumf %max3A_1105, %broadcast_in_dim3A_1137 : vector<8x1xf32>
    %sub3A_1139 = arith.subf %max3A_1105, %max3A_1138 : vector<8x1xf32>
    %exp3A_1140 = math.exp %sub3A_1139 : vector<8x1xf32>
    %mul3A_1141 = arith.mulf %add3A_1115, %exp3A_1140 : vector<8x1xf32>
    %sub3A_1142 = vector.broadcast %max3A_1138 : vector<8x1xf32> to vector<8x6272xf32>
    %sub3A_1143 = arith.subf %add3A_1131, %sub3A_1142 : vector<8x6272xf32>
    %exp3A_1144 = math.exp %sub3A_1143 : vector<8x6272xf32>
    %reduce_sum3A_1145 = arith.constant dense<0.000000e+00> : vector<8xf32>
    %reduce_sum3A_1146 = vector.multi_reduction <add>, %exp3A_1144, %reduce_sum3A_1145 [1] : vector<8x6272xf32> to vector<8xf32>
    %broadcast_in_dim3A_1147 = vector.shape_cast %reduce_sum3A_1146 : vector<8xf32> to vector<8x1xf32>
    %add3A_1148 = arith.addf %mul3A_1141, %broadcast_in_dim3A_1147 : vector<8x1xf32>
    %dma_wait3A_1149 = arith.constant 7 : i32
    %dma_wait3A_1150 = tpu.memref_slice %arg21[%dma_wait3A_1149] : memref<8x!tpu.dma_semaphore, #tpu.memory_space<semaphore_mem>> -> memref<1x!tpu.dma_semaphore, #tpu.memory_space<semaphore_mem>>
    %dma_wait3A_1151 = tpu.memref_squeeze %dma_wait3A_1150 : memref<1x!tpu.dma_semaphore, #tpu.memory_space<semaphore_mem>> -> memref<!tpu.dma_semaphore, #tpu.memory_space<semaphore_mem>>
    %dma_wait3A_1152 = arith.constant 43904 : i32
    %dma_wait3A_1153 = arith.constant 0 : i32
    %dma_wait3A_1154 = tpu.memref_slice %arg10[%dma_wait3A_1152, %dma_wait3A_1153] : memref<50000x128xf32, #tpu.memory_space<any>> -> memref<6096x128xf32, #tpu.memory_space<any>>
    tpu.wait_dma2 semaphore(%dma_wait3A_1151 : memref<!tpu.dma_semaphore, #tpu.memory_space<semaphore_mem>>) src(%dma_wait3A_1154 : memref<6096x128xf32, #tpu.memory_space<any>>) dst(%arg20 : memref<6096x128xf32, #tpu.memory_space<vmem>>)
    %get3A_1155 = arith.constant 0 : index
    %get3A_1156 = arith.constant 0 : index
    %get3A_1157 = vector.load %arg20[%get3A_1155, %get3A_1156] : memref<6096x128xf32, #tpu.memory_space<vmem>>, vector<6096x128xf32>
    %dot_general3A_1158 = arith.constant dense<0.000000e+00> : vector<8x6096xf32>
    %dot_general3A_1159 = tpu.matmul %concatenate3A_917, %get3A_1157, %dot_general3A_1158 {dimension_numbers = #tpu.dot_dimension_numbers<[1], [1], [0], [0], [0, 0, 1, 0], [], []>, transpose_lhs_hint = false} : vector<8x128xf32>, vector<6096x128xf32>, vector<8x6096xf32> -> vector<8x6096xf32>
    %get3A_1160 = arith.constant 0 : index
    %get3A_1161 = arith.constant 43904 : index
    %get3A_1162 = vector.load %arg9[%get3A_1160, %get3A_1161] : memref<1x50000xf32, #tpu.memory_space<vmem>>, vector<1x6096xf32>
    %add3A_1163 = vector.broadcast %get3A_1162 : vector<1x6096xf32> to vector<8x6096xf32>
    %add3A_1164 = arith.addf %dot_general3A_1159, %add3A_1163 : vector<8x6096xf32>
    %swap3A_1165 = arith.constant 0 : index
    %swap3A_1166 = arith.constant 43904 : index
    %swap3A_1167 = vector.load %arg11[%swap3A_1165, %swap3A_1166] : memref<8x50000xf32, #tpu.memory_space<vmem>>, vector<8x6096xf32>
    tpu.vector_store %arg11[%swap3A_1165, %swap3A_1166], %add3A_1164 {strides = array<i32>} : memref<8x50000xf32, #tpu.memory_space<vmem>>, vector<8x6096xf32>,
    %reduce_max3A_1168 = arith.constant dense<0xFF800000> : vector<8xf32>
    %reduce_max3A_1169 = vector.multi_reduction <maximumf>, %add3A_1164, %reduce_max3A_1168 [1] : vector<8x6096xf32> to vector<8xf32>
    %broadcast_in_dim3A_1170 = vector.shape_cast %reduce_max3A_1169 : vector<8xf32> to vector<8x1xf32>
    %max3A_1171 = arith.maximumf %max3A_1138, %broadcast_in_dim3A_1170 : vector<8x1xf32>
    %sub3A_1172 = arith.subf %max3A_1138, %max3A_1171 : vector<8x1xf32>
    %exp3A_1173 = math.exp %sub3A_1172 : vector<8x1xf32>
    %mul3A_1174 = arith.mulf %add3A_1148, %exp3A_1173 : vector<8x1xf32>
    %sub3A_1175 = vector.broadcast %max3A_1171 : vector<8x1xf32> to vector<8x6096xf32>
    %sub3A_1176 = arith.subf %add3A_1164, %sub3A_1175 : vector<8x6096xf32>
    %exp3A_1177 = math.exp %sub3A_1176 : vector<8x6096xf32>
    %reduce_sum3A_1178 = arith.constant dense<0.000000e+00> : vector<8xf32>
    %reduce_sum3A_1179 = vector.multi_reduction <add>, %exp3A_1177, %reduce_sum3A_1178 [1] : vector<8x6096xf32> to vector<8xf32>
    %broadcast_in_dim3A_1180 = vector.shape_cast %reduce_sum3A_1179 : vector<8xf32> to vector<8x1xf32>
    %add3A_1181 = arith.addf %mul3A_1174, %broadcast_in_dim3A_1180 : vector<8x1xf32>
    %get3A_1182 = arith.constant 0 : index
    %get3A_1183 = arith.constant 0 : index
    %get3A_1184 = vector.load %arg11[%get3A_1182, %get3A_1183] : memref<8x50000xf32, #tpu.memory_space<vmem>>, vector<8x50000xf32>
    %log3A = math.log %add3A_1181 : vector<8x1xf32>
    %add3A_1185 = arith.addf %max3A_1171, %log3A : vector<8x1xf32>
    %sub3A_1186 = vector.broadcast %add3A_1185 : vector<8x1xf32> to vector<8x50000xf32>
    %sub3A_1187 = arith.subf %get3A_1184, %sub3A_1186 : vector<8x50000xf32>
    %swap3A_1188 = arith.constant 0 : index
    %swap3A_1189 = arith.constant 0 : index
    %swap3A_1190 = vector.load %arg11[%swap3A_1188, %swap3A_1189] : memref<8x50000xf32, #tpu.memory_space<vmem>>, vector<8x50000xf32>
    tpu.vector_store %arg11[%swap3A_1188, %swap3A_1189], %sub3A_1187 {strides = array<i32>} : memref<8x50000xf32, #tpu.memory_space<vmem>>, vector<8x50000xf32>,
    %broadcast_in_dim3A_1191 = arith.constant 0.000000e+00 : f32
    %broadcast_in_dim3A_1192 = vector.broadcast %broadcast_in_dim3A_1191 : f32 to vector<1x8xf32>
    %swap3A_1193 = arith.constant 0 : index
    %swap3A_1194 = arith.constant 0 : index
    %swap3A_1195 = vector.load %arg12[%swap3A_1193, %swap3A_1194] : memref<1x8xf32, #tpu.memory_space<vmem>>, vector<1x8xf32>
    tpu.vector_store %arg12[%swap3A_1193, %swap3A_1194], %broadcast_in_dim3A_1192 {strides = array<i32>} : memref<1x8xf32, #tpu.memory_space<vmem>>, vector<1x8xf32>,
    return
  }
}

</mosaic_0001>

<sc_bundles>
// kernel: kernel.4.cloned.1.call-start
scs
__scs_entry_jumppad:
0x0: {  	(pc) =	sbr.rel $0x88, $3  }
0x1: {  	(tag) =	ssettag $0x0;
	lr =	simm.s32 $0x1  }
0x2: {  	[smem:$0x3F99] =	sst lr;
	_ =	strace $0xD0000000  }
0x3: {  	_ = 	snop  }
0x4: {  	_ = 	snop  }
0x5: {  	_ = 	snop  }
0x6: {  	_ = 	snop  }
0x7: {  	_ = 	snop  }
__scs_overlays_trampoline_lowered:
0x8: {  	[smem:$0x3FA8] =	sst s0  }
0x9: {  	[smem:$0x3FA9] =	sst s1  }
0xa: {  	[smem:$0x3FAA] =	sst s2  }
0xb: {  	[smem:$0x3FAB] =	sst s3  }
0xc: {  	[smem:$0x3FAC] =	sst s4  }
0xd: {  	[smem:$0x3FAD] =	sst s5  }
0xe: {  	[smem:$0x3FAE] =	sst s6  }
0xf: {  	[smem:$0x3FAF] =	sst s7  }
0x10: {  	[smem:$0x3FB0] =	sst s8  }
0x11: {  	[smem:$0x3FB1] =	sst s9;
	s0 =	simm.s32 @!p0 $0x0  }
0x12: {  	s1 =	sld [smem:$0x3F97];
	s0 =	simm.s32 @p0 $0x1  }
0x13: {  	[smem:$0x3FB2] =	sst s0;
	s0 =	simm.s32 @!p1 $0x0  }
0x14: {  	s2 =	sld [smem:$0x3F96];
	s0 =	simm.s32 @p1 $0x1  }
0x15: {  	[smem:$0x3FB3] =	sst s0;
	s0 =	simm.s32 @!p2 $0x0  }
0x16: {  	s3 =	sld [smem:$0x3FDB];
	s0 =	simm.s32 @p2 $0x1  }
0x17: {  	s4 =	simm.s32 $0x1BF5;
	[smem:$0x3FB5] =	sst s0  }
0x18: {  	s0 =	sld [smem:$0x3F98];
	_ =	swait.ge [sflag:s4], $0x0  }
0x19: {  	s7 =	sld [smem:$0x3F99]  }
0x1a: {  	s8 =	sadd.s32 $0xFFFFE003, lr  }
0x1b: {  	s9 =	sadd.s32 $0xFFFFFEF7, lr;
	s5 =	simm.s32 $0xFFFFFFFF;
	p2 =	slt.u32 s8, $0xFFFFF086  }
0x1c: {  	p1 =	slt.u32 s9, $0xF7A;
	s5 =	simm.s32 @!p2 $0x0  }
0x1d: {  	s5 =	simm.s32 @p1 $0x1;
	p0 =	seq.s32 s7, s2  }
0x1e: {  	s7 =	smul.u32 @!p0 $0xF7A, s2;
	p2 =	seq.s32 @!p0 s5, $0x0  }
0x1f: {  	s9 =	smul.u32 $0xF7A, s1;
	s8 =	simm.s32 @!p0 $0x1BF5;
	p2 =	por !p2, p0  }
0x20: {  	[sflag:s8] =	ssyncset.s32 @!p0 $0xFFFFF086;
	s6 =	sadd.s32 @!p0 s3, s7;
	s7 =	simm.s32 @!p0 $0x108  }
0x21: {  	s3 =	sadd.s32 s3, s9;
	s6 =	sadd.s32 @!p0 $0x88, s6;
	s7 =	simm.s32 @p2 $0x1082  }
0x22: {  	[simem:s7], [sflag:s8] =	dma.local @!p0 [hbm:s6], $0xF7A  }
0x23: {  	s9 =	sor.u32 $0xD0000000, s2;
	s6 =	simm.s32 $0x108;
	_ =	swait.ge @!p0 [sflag:s8], $0x0  }
0x24: {  	s3 =	sadd.s32 $0x88, s3;
	s6 =	simm.s32 @!p1 $0x1082;
	[sflag:s4] =	ssyncset.s32 $0xFFFFF086  }
0x25: {  	[simem:s6], [sflag:s4] =	dma.local [hbm:s3], $0xF7A  }
0x26: {  	[smem:$0x3F99] =	sst s1;
	(tag) =	ssettag s2;
	_ =	strace s9  }
0x27: {  	s1 =	sld [smem:$0x3FA9]  }
0x28: {  	s2 =	sld [smem:$0x3FAA]  }
0x29: {  	s4 =	sld [smem:$0x3FAC]  }
0x2a: {  	p0 =	seq.s32 s5, $0x0;
	s5 =	sld [smem:$0x3FAD]  }
0x2b: {  	s6 =	sld [smem:$0x3FAE]  }
0x2c: {  	s7 =	sld [smem:$0x3FAF]  }
0x2d: {  	s3 =	simm.s32 $0x108;
	s8 =	sld [smem:$0x3FB0]  }
0x2e: {  	s3 =	simm.s32 @!p0 $0x1082;
	s9 =	sld [smem:$0x3FB1]  }
0x2f: {  	lr =	sadd.s32 s0, s3;
	s0 =	sld [smem:$0x3FA8]  }
0x30: {  	s3 =	sld [smem:$0x3FAB]  }
0x31: {  	[smem:$0x3FB4] =	sst s10  }
0x32: {  	s10 =	sld [smem:$0x3FB2];
	_ =	sdelay $0x3  }
0x33: {  	p0 =	seq.s32 s10, $0x1;
	s10 =	sld [smem:$0x3FB4];
	_ =	sdelay $0x3  }
0x34: {  	[smem:$0x3FB4] =	sst s10  }
0x35: {  	s10 =	sld [smem:$0x3FB3];
	_ =	sdelay $0x3  }
0x36: {  	p1 =	seq.s32 s10, $0x1;
	s10 =	sld [smem:$0x3FB4];
	_ =	sdelay $0x3  }
0x37: {  	[smem:$0x3FB4] =	sst s10  }
0x38: {  	s10 =	sld [smem:$0x3FB5]  }
0x39: {  	_ = 	snop;
	(pc) =	sbr.ind lr, $3  }
0x3a: {  	_ = 	snop  }
0x3b: {  	_ = 	snop  }
0x3c: {  	p2 =	seq.s32 s10, $0x1;
	s10 =	sld [smem:$0x3FB4]  }
0x3d: {  	_ =	shalt  }
0x3e: {  	_ =	shalt  }
0x3f: {  	_ =	shalt  }
0x40: {  	_ =	shalt  }
0x41: {  	_ =	shalt  }
0x42: {  	_ =	shalt  }
0x43: {  	_ =	shalt  }
0x44: {  	_ =	shalt  }
0x45: {  	_ =	shalt  }
0x46: {  	_ =	shalt  }
0x47: {  	_ =	shalt  }
0x48: {  	_ =	shalt  }
0x49: {  	_ =	shalt  }
0x4a: {  	_ =	shalt  }
0x4b: {  	_ =	shalt  }
0x4c: {  	_ =	shalt  }
0x4d: {  	_ =	shalt  }
0x4e: {  	_ =	shalt  }
0x4f: {  	_ =	shalt  }
0x50: {  	_ =	shalt  }
0x51: {  	_ =	shalt  }
0x52: {  	_ =	shalt  }
0x53: {  	_ =	shalt  }
0x54: {  	_ =	shalt  }
0x55: {  	_ =	shalt  }
0x56: {  	_ =	shalt  }
0x57: {  	_ =	shalt  }
0x58: {  	_ =	shalt  }
0x59: {  	_ =	shalt  }
0x5a: {  	_ =	shalt  }
0x5b: {  	_ =	shalt  }
0x5c: {  	_ =	shalt  }
0x5d: {  	_ =	shalt  }
0x5e: {  	_ =	shalt  }
0x5f: {  	_ =	shalt  }
0x60: {  	_ =	shalt  }
0x61: {  	_ =	shalt  }
0x62: {  	_ =	shalt  }
0x63: {  	_ =	shalt  }
0x64: {  	_ =	shalt  }
0x65: {  	_ =	shalt  }
0x66: {  	_ =	shalt  }
0x67: {  	_ =	shalt  }
0x68: {  	_ =	shalt  }
0x69: {  	_ =	shalt  }
0x6a: {  	_ =	shalt  }
0x6b: {  	_ =	shalt  }
0x6c: {  	_ =	shalt  }
0x6d: {  	_ =	shalt  }
0x6e: {  	_ =	shalt  }
0x6f: {  	_ =	shalt  }
0x70: {  	_ =	shalt  }
0x71: {  	_ =	shalt  }
0x72: {  	_ =	shalt  }
0x73: {  	_ =	shalt  }
0x74: {  	_ =	shalt  }
0x75: {  	_ =	shalt  }
0x76: {  	_ =	shalt  }
0x77: {  	_ =	shalt  }
0x78: {  	_ =	shalt  }
0x79: {  	_ =	shalt  }
0x7a: {  	_ =	shalt  }
0x7b: {  	_ =	shalt  }
0x7c: {  	_ =	shalt  }
0x7d: {  	_ =	shalt  }
0x7e: {  	_ =	shalt  }
0x7f: {  	_ =	shalt  }
0x80: {  	_ =	shalt  }
0x81: {  	_ =	shalt  }
0x82: {  	_ =	shalt  }
0x83: {  	_ =	shalt  }
0x84: {  	_ =	shalt  }
0x85: {  	_ =	shalt  }
0x86: {  	_ =	shalt  }
0x87: {  	_ =	shalt  }
.Lfunc_end0:
.L_simem_size_0:
called_computation_lowered:
.L_overlay_start_0:
0x88: {  	s2 =	sld [smem:$0x3FD9]  }
0x89: {  	s3 =	sld [smem:$0x3FFE];
	_ =	sdelay $0x1  }
0x8a: {  	s1 =	srdreg.scid  }
0x8b: {  	s0 =	sand.u32 $0x1, s1  }
0x8c: {  	s14 =	sshll.u32 s0, $0xA;
	s2 =	sadd.s32 s3, s2  }
0x8d: {  	s2 =	sadd.s32 s2, s14  }
0x8e: {  	[smem:$0x3FC0] =	sst s2  }
0x8f: {  	_ = 	snop  }
0x90: {  	s2 =	sld [smem:$0x3FD0];
	_ =	sdelay $0x1  }
0x91: {  	s15 =	sld [smem:$0x3FC9]  }
0x92: {  	s5 =	simm.s32 $0xA;
	s6 =	simm.s32 $0x10;
	s4 =	sld [smem:$0x3FC8]  }
0x93: {  	[smem:s6], [sflag:s5] =	dma.local [hbm:s2], $0x1  }
0x94: {  	_ =	swait.eq [sflag:s5], $0x1  }
0x95: {  	[sflag:s5] =	ssyncset.done $0x0  }
0x96: {  	[sflag:s5] =	ssyncadd.s32 $0xFFFFFFFF  }
0x97: {  	s16 =	sld [smem:$0x10];
	(tm) =	ssettm $0x1  }
0x98: {  	s17 =	sld [smem:$0x3FFB];
	_ =	sdelay $0x3  }
0x99: {  	_ =	strace s17  }
0x9a: {  	s5 =	sld [smem:$0x3FFC];
	_ =	sdelay $0x3  }
0x9b: {  	_ =	strace s5  }
0x9c: {  	s5 =	sld [smem:$0x3FFD];
	_ =	sdelay $0x3  }
0x9d: {  	_ =	strace s5  }
0x9e: {  	_ =	strace $0x8FFFFFFF  }
0x9f: {  	s18 =	sld [smem:$0x3FDB];
	_ =	sdelay $0x1  }
0xa0: {  	s19 =	simm.s32 $_scs_section_size  }
0xa1: {  	s7 =	simm.s32 $_size__tile_overlayer_lowered;
	s8 =	simm.s32 $_tile_overlayer_lowered  }
0xa2: {  	s22 =	simm.s32 $0x1BFF;
	s21 =	sshll.u32 s8, $0x1;
	s5 =	sadd.s32 s19, s18  }
0xa3: {  	s9 =	simm.s32 $0x0;
	s20 =	sshll.u32 s7, $0x1;
	s7 =	sadd.s32 s21, s5  }
0xa4: {  	[timem:s9], [sflag:s22] =	dma.local [hbm:s7], s20  }
0xa5: {  	_ =	swait.ge [sflag:s22], s20  }
0xa6: {  	s6 =	ssub.s32 $0x0, s20;
	[sflag:s22] =	ssyncset.done $0x0  }
0xa7: {  	[sflag:s22] =	ssyncadd.s32 s6;
	_ =	sdelay $0x1  }
0xa8: {  	s23 =	simm.s32 $0x1B8B  }
0xa9: {  	_ =	swait.ge [sflag:s23], $0x1  }
0xaa: {  	[sflag:s23] =	ssyncset.done $0x0  }
0xab: {  	s25 =	simm.s32 $0x1B8E;
	s24 =	sld [smem:$0x3FFE];
	[sflag:s23] =	ssyncadd.s32 $0xFFFFFFFF  }
0xac: {  	s26 =	simm.s32 $execute0_lowered;
	[smem:$0x3FD2] =	sst s25  }
0xad: {  	s7 =	sshll.u32 s26, $0x1;
	_ =	strace $0x80000046;
	[dreg:$0x1] =	wrdreg $0xFFFFFFFF  }
0xae: {  	s28 =	simm.s32 $_size_execute0_lowered;
	s5 =	sadd.s32 s5, s7;
	[dreg:$0x0] =	wrdreg $0x0  }
0xaf: {  	s7 =	sshll.u32 s28, $0x1;
	[dreg:$0x2] =	wrdreg s5  }
0xb0: {  	[dreg:$0x3] =	wrdreg s7  }
0xb1: {  	[dreg:$0x4] =	wrdreg $0xC0  }
0xb2: {  	_ =	task [dreg:s9], $0x5FFFF  }
0xb3: {  	[dreg:$0x1] =	wrdreg $0xFFFFFFFF  }
0xb4: {  	[dreg:$0x0] =	wrdreg $0x60  }
0xb5: {  	[dreg:$0x2] =	wrdreg s15  }
0xb6: {  	[dreg:$0x3] =	wrdreg s4  }
0xb7: {  	[dreg:$0x4] =	wrdreg s16  }
0xb8: {  	[dreg:$0x5] =	wrdreg s24  }
0xb9: {  	[dreg:$0x6] =	wrdreg $0x9  }
0xba: {  	_ =	task.clear_ibuf [dreg:s9], $0x7FFFF;
	_ =	strace $0x90000046  }
0xbb: {  	s29 =	simm.s32 $0x9;
	_ =	strace $0x80000048  }
0xbc: {  	_ =	swait.ge [sflag:s29], $0x1  }
0xbd: {  	[sflag:s29] =	ssyncadd.s32 $0xFFFFFFFF  }
0xbe: {  	_ =	strace $0x90000048  }
0xbf: {  	_ =	sfence  }
0xc0: {  	s30 =	sld [smem:$0x0];
	_ =	sdelay $0x2  }
0xc1: {  	s31 =	sshll.u32 s1, $0xD;
	s1 =	sshrl.u32 s1, $0x2  }
0xc2: {  	s3 =	sand.u32 $0x4000, s31;
	s1 =	sadd.s32 s1, s30  }
0xc3: {  	s0 =	sor.u32 s3, s0;
	s1 =	sshll.u32 s1, $0x11  }
0xc4: {  	s0 =	sor.u32 s1, s0  }
0xc5: {  	s0 =	sadd.s32 $0x8F2B, s0  }
0xc6: {  	[sflag:s0] =	ssyncadd.remote.s32 $0x1  }
0xc7: {  	_ =	sfence.sel $0xFFFF  }
0xc8: {  	[dreg:$0x0] =	wrdreg $0xFFFFFFFF;
	(pc) =	sbr.abs _section_cstart, $3  }
0xc9: {  	[dreg:$0x1] =	wrdreg $0xFFFFFFFF  }
0xca: {  	_ =	task.clear_ibuf [dreg:s9], $0x2FFFF;
	_ =	strace $0x9FFFFFFF  }
0xcb: {  	(tm) =	ssettm $0x7FFFFFFF  }
tec
execute0_lowered:
.L_overlay_start_1:
0x0: {  	(tag) =	ssettag $0x1  }
0x1: {  	s4 =	rddreg [dreg:$0x0]  }
0x2: {  	s2 =	rddreg [dreg:$0x1]  }
0x3: {  	s9 =	rddreg [dreg:$0x2]  }
0x4: {  	s10 =	rddreg [dreg:$0x3]  }
0x5: {  	s0 =	rddreg [dreg:$0x4];
	s3 =	simm.s32 $0x0;
	s1 =	stileid.u32  }
0x6: {  	s5 =	srdreg.scid;
	s6 =	sshll.u32 s1, $0x1;
	s11 =	sshrl.u32 s1, $0x1  }
0x7: {  	s21 =	sand.u32 $0x1, s5;
	s30 =	sand.u32 $0x2, s6;
	s31 =	sshll.u32 s11, $0x6  }
0x8: {  	[smem:$0x7FF] =	sst s3;
	s12 =	sor.u32 s21, s30;
	s4 =	sadd.s32 s4, s31  }
0x9: {  	_ =	strace $0x80000047;
	s5 =	sadd.s32 s12, s4;
	s4 =	simm.s32 $0x2  }
0xa: {  	[tilespmem:s3], [sflag:$0x2] =	stream.linear.gather [hbm4b:s5+s3], $0x8, $0x38;
	[tilespmem:$0x480] =	vst v63  }
0xb: {  	_ =	swait.ge [sflag:s4], $0x8  }
0xc: {  	s7 =	simm.s32 $0x80;
	s8 =	simm.s32 $0x1;
	[sflag:s4] =	ssyncset.done $0x0  }
0xd: {  	s6 =	simm.s32 $0x8;
	s14 =	sshll.u32 s11, $0x9;
	[sflag:s4] =	ssyncadd.s32 $0xFFFFFFF8  }
0xe: {  	[tilespmem:s7], [sflag:$0x1] =	stream.indirect.gather [hbm4b:s2+s6], $0x80, s3, s6, $0xb8;
	[tilespmem:$0x480] =	vst v63  }
0xf: {  	s9 =	sadd.s32 s9, s14;
	_ =	swait.ge [sflag:s8], $0x400  }
0x10: {  	s13 =	sshll.u32 s12, $0xA;
	s12 =	sshll.u32 s12, $0x7;
	[sflag:s8] =	ssyncset.done $0x0  }
0x11: {  	s11 =	sshll.u32 s11, $0x4;
	s9 =	sadd.s32 s12, s9;
	[sflag:s8] =	ssyncadd.s32 $0xFFFFFC00  }
0x12: {  	[hbm4b:s9+s3] =	stream.linear.scatter [tilespmem:s7], [sflag:$0x2], $0x400, $0x38;
	[tilespmem:$0x480] =	vst v63  }
0x13: {  	s11 =	sor.u32 s11, s13;
	_ =	swait.ge [sflag:s4], $0x400  }
0x14: {  	s23 =	sadd.s32 s11, s10;
	[sflag:s4] =	ssyncset.done $0x0  }
0x15: {  	s10 =	sadd.s32 $0x1C00, s23;
	[sflag:s4] =	ssyncadd.s32 $0xFFFFFC00  }
0x16: {  	[hbm4b:s10+s3] =	stream.linear.scatter [tilespmem:s7], [sflag:$0x2], $0x80, $0x38;
	[tilespmem:$0x480] =	vst v63  }
0x17: {  	_ =	swait.ge [sflag:s4], $0x80  }
0x18: {  	[sflag:s4] =	ssyncset.done $0x0  }
0x19: {  	s12 =	simm.s32 $0x100;
	s11 =	sadd.s32 $0x1C80, s23;
	[sflag:s4] =	ssyncadd.s32 $0xFFFFFF80  }
0x1a: {  	[hbm4b:s11+s3] =	stream.linear.scatter [tilespmem:s12], [sflag:$0x2], $0x80, $0x38;
	[tilespmem:$0x480] =	vst v63  }
0x1b: {  	_ =	swait.ge [sflag:s4], $0x80  }
0x1c: {  	[sflag:s4] =	ssyncset.done $0x0  }
0x1d: {  	s14 =	simm.s32 $0x180;
	s13 =	sadd.s32 $0x1D00, s23;
	[sflag:s4] =	ssyncadd.s32 $0xFFFFFF80  }
0x1e: {  	[hbm4b:s13+s3] =	stream.linear.scatter [tilespmem:s14], [sflag:$0x2], $0x80, $0x38;
	[tilespmem:$0x480] =	vst v63  }
0x1f: {  	_ =	swait.ge [sflag:s4], $0x80  }
0x20: {  	[sflag:s4] =	ssyncset.done $0x0  }
0x21: {  	s16 =	simm.s32 $0x200;
	s15 =	sadd.s32 $0x1D80, s23;
	[sflag:s4] =	ssyncadd.s32 $0xFFFFFF80  }
0x22: {  	[hbm4b:s15+s3] =	stream.linear.scatter [tilespmem:s16], [sflag:$0x2], $0x80, $0x38;
	[tilespmem:$0x480] =	vst v63  }
0x23: {  	_ =	swait.ge [sflag:s4], $0x80  }
0x24: {  	[sflag:s4] =	ssyncset.done $0x0  }
0x25: {  	s18 =	simm.s32 $0x280;
	s17 =	sadd.s32 $0x1E00, s23;
	[sflag:s4] =	ssyncadd.s32 $0xFFFFFF80  }
0x26: {  	[hbm4b:s17+s3] =	stream.linear.scatter [tilespmem:s18], [sflag:$0x2], $0x80, $0x38;
	[tilespmem:$0x480] =	vst v63  }
0x27: {  	_ =	swait.ge [sflag:s4], $0x80  }
0x28: {  	s20 =	simm.s32 $0x300;
	[sflag:s4] =	ssyncset.done $0x0  }
0x29: {  	s24 =	ssub.s32 $0x2, s21;
	s19 =	sadd.s32 $0x1E80, s23;
	[sflag:s4] =	ssyncadd.s32 $0xFFFFFF80  }
0x2a: {  	[hbm4b:s19+s3] =	stream.linear.scatter [tilespmem:s20], [sflag:$0x2], $0x80, $0x38;
	[tilespmem:$0x480] =	vst v63  }
0x2b: {  	s25 =	sshrl.u32 s24, $0x1;
	_ =	swait.ge [sflag:s4], $0x80  }
0x2c: {  	s22 =	simm.s32 $0x380;
	s24 =	ssub.s32 s24, s25;
	[sflag:s4] =	ssyncset.done $0x0  }
0x2d: {  	s25 =	smax.u32 s24, $0x1;
	s21 =	sadd.s32 $0x1F00, s23;
	[sflag:s4] =	ssyncadd.s32 $0xFFFFFF80  }
0x2e: {  	[hbm4b:s21+s3] =	stream.linear.scatter [tilespmem:s22], [sflag:$0x2], $0x80, $0x38;
	[tilespmem:$0x480] =	vst v63  }
0x2f: {  	p0 =	sne.s32 s25, $0x1;
	_ =	swait.ge [sflag:s4], $0x80  }
.Ltmp0:
0x30: {  	[sflag:s4] =	ssyncset.done $0x0;
	(pc) =	sbr.rel @!p0 .LBB2_2-.Ltmp0, $4  }
0x31: {  	s24 =	simm.s32 $0x400;
	s23 =	sadd.s32 $0x1F80, s23;
	[sflag:s4] =	ssyncadd.s32 $0xFFFFFF80  }
0x32: {  	[hbm4b:s23+s3] =	stream.linear.scatter [tilespmem:s24], [sflag:$0x2], $0x80, $0x38;
	[tilespmem:$0x480] =	vst v63  }
0x33: {  	_ =	swait.ge [sflag:s4], $0x80  }
0x34: {  	s25 =	sadd.s32 $0xFFFFFFFF, s25;
	[sflag:s4] =	ssyncset.done $0x0  }
.LBB2_1:
0x35: {  	p0 =	sne.s32 s25, $0x1;
	s25 =	sadd.s32 $0xFFFFFFFF, s25;
	[sflag:s4] =	ssyncadd.s32 $0xFFFFFF80  }
0x36: {  	[tilespmem:s3], [sflag:$0x2] =	stream.linear.gather [hbm4b:s5+s3], $0x8, $0x38;
	[tilespmem:$0x480] =	vst v63  }
0x37: {  	_ =	swait.ge [sflag:s4], $0x8  }
0x38: {  	[sflag:s4] =	ssyncset.done $0x0  }
0x39: {  	[sflag:s4] =	ssyncadd.s32 $0xFFFFFFF8  }
0x3a: {  	[tilespmem:s7], [sflag:$0x1] =	stream.indirect.gather [hbm4b:s2+s6], $0x80, s3, s6, $0xb8;
	[tilespmem:$0x480] =	vst v63  }
0x3b: {  	_ =	swait.ge [sflag:s8], $0x400  }
0x3c: {  	[sflag:s8] =	ssyncset.done $0x0  }
0x3d: {  	[sflag:s8] =	ssyncadd.s32 $0xFFFFFC00  }
0x3e: {  	[hbm4b:s9+s3] =	stream.linear.scatter [tilespmem:s7], [sflag:$0x2], $0x400, $0x38;
	[tilespmem:$0x480] =	vst v63  }
0x3f: {  	_ =	swait.ge [sflag:s4], $0x400  }
0x40: {  	[sflag:s4] =	ssyncset.done $0x0  }
0x41: {  	[sflag:s4] =	ssyncadd.s32 $0xFFFFFC00  }
0x42: {  	[hbm4b:s10+s3] =	stream.linear.scatter [tilespmem:s7], [sflag:$0x2], $0x80, $0x38;
	[tilespmem:$0x480] =	vst v63  }
0x43: {  	_ =	swait.ge [sflag:s4], $0x80  }
0x44: {  	[sflag:s4] =	ssyncset.done $0x0  }
0x45: {  	[sflag:s4] =	ssyncadd.s32 $0xFFFFFF80  }
0x46: {  	[hbm4b:s11+s3] =	stream.linear.scatter [tilespmem:s12], [sflag:$0x2], $0x80, $0x38;
	[tilespmem:$0x480] =	vst v63  }
0x47: {  	_ =	swait.ge [sflag:s4], $0x80  }
0x48: {  	[sflag:s4] =	ssyncset.done $0x0  }
0x49: {  	[sflag:s4] =	ssyncadd.s32 $0xFFFFFF80  }
0x4a: {  	[hbm4b:s13+s3] =	stream.linear.scatter [tilespmem:s14], [sflag:$0x2], $0x80, $0x38;
	[tilespmem:$0x480] =	vst v63  }
0x4b: {  	_ =	swait.ge [sflag:s4], $0x80  }
0x4c: {  	[sflag:s4] =	ssyncset.done $0x0  }
0x4d: {  	[sflag:s4] =	ssyncadd.s32 $0xFFFFFF80  }
0x4e: {  	[hbm4b:s15+s3] =	stream.linear.scatter [tilespmem:s16], [sflag:$0x2], $0x80, $0x38;
	[tilespmem:$0x480] =	vst v63  }
0x4f: {  	_ =	swait.ge [sflag:s4], $0x80  }
0x50: {  	[sflag:s4] =	ssyncset.done $0x0  }
0x51: {  	[sflag:s4] =	ssyncadd.s32 $0xFFFFFF80  }
0x52: {  	[hbm4b:s17+s3] =	stream.linear.scatter [tilespmem:s18], [sflag:$0x2], $0x80, $0x38;
	[tilespmem:$0x480] =	vst v63  }
0x53: {  	_ =	swait.ge [sflag:s4], $0x80  }
0x54: {  	[sflag:s4] =	ssyncset.done $0x0  }
0x55: {  	[sflag:s4] =	ssyncadd.s32 $0xFFFFFF80  }
0x56: {  	[hbm4b:s19+s3] =	stream.linear.scatter [tilespmem:s20], [sflag:$0x2], $0x80, $0x38;
	[tilespmem:$0x480] =	vst v63  }
0x57: {  	_ =	swait.ge [sflag:s4], $0x80  }
0x58: {  	[sflag:s4] =	ssyncset.done $0x0  }
0x59: {  	[sflag:s4] =	ssyncadd.s32 $0xFFFFFF80  }
0x5a: {  	[hbm4b:s21+s3] =	stream.linear.scatter [tilespmem:s22], [sflag:$0x2], $0x80, $0x38;
	[tilespmem:$0x480] =	vst v63  }
0x5b: {  	_ =	swait.ge [sflag:s4], $0x80  }
.Ltmp1:
0x5c: {  	[sflag:s4] =	ssyncset.done $0x0;
	(pc) =	sbr.rel @p0 .LBB2_1-.Ltmp1, $4  }
0x5d: {  	[sflag:s4] =	ssyncadd.s32 $0xFFFFFF80  }
0x5e: {  	[hbm4b:s23+s3] =	stream.linear.scatter [tilespmem:s24], [sflag:$0x2], $0x80, $0x38;
	[tilespmem:$0x480] =	vst v63  }
0x5f: {  	_ =	swait.ge [sflag:s4], $0x80  }
0x60: {  	[sflag:s4] =	ssyncset.done $0x0  }
.LBB2_2:
0x61: {  	[sflag:s4] =	ssyncadd.s32 $0xFFFFFF80  }
0x62: {  	_ =	sfence.sel $0x180000  }
0x63: {  	[bflag:$0x0] =	sbarrier.arrive $0xFFFF  }
0x64: {  	p0 =	sne.s32 s1, $0x0;
	_ =	strace $0x90000047  }
0x65: {  	s0 =	sadd.s32 @!p0 $0x100000, s0;
	[bflag:$0x2] =	sbarrier.arrive $0xFFFF  }
0x66: {  	[sflag:s0] =	ssyncadd.tile.s32 @!p0 $0x1;
	_ =	shalt  }
.Lfunc_end2:
_tile_overlayer_lowered:
.L_overlay_start_2:
0x67: {  	(tag) =	ssettag $0x2  }
0x68: {  	s0 =	rddreg [dreg:$0x0];
	s2 =	stileid.u32  }
0x69: {  	s1 =	rddreg [dreg:$0x1];
	p0 =	sne.s32 s2, $0x0  }
0x6a: {  	s3 =	rddreg [dreg:$0x2];
	[bflag:$0x3] =	sbarrier.arrive $0xFFFF;
	s2 =	simm.s32 @!p0 $0x1C02  }
0x6b: {  	[timem:s3], [sflag:s2] =	dma.local @!p0 [hbm:s0], s1  }
0x6c: {  	s0 =	simm.s32 @!p0 $0x2  }
0x6d: {  	_ =	swait.ge @!p0 [sflag:s0], s1  }
0x6e: {  	s1 =	ssub.s32 @!p0 $0x0, s1;
	[sflag:s0] =	ssyncset.done @!p0 $0x0  }
0x6f: {  	[sflag:s0] =	ssyncadd.s32 @!p0 s1  }
0x70: {  	[bflag:$0x3] =	sbarrier.arrive $0xFFFF  }
0x71: {  	_ =	shalt  }

</sc_bundles>
